<compile_context>
chip_gen: v7x
topology: tpu7x:2x2x1
jax: 0.10.2.dev20260603
libtpu: 0.0.44.dev20260713+nightly
codegen_flags: <defaults>
</compile_context>

<pallas_src>
import functools

import jax
import jax.numpy as jnp
from jax import lax
from jax.experimental import pallas as pl
from jax.experimental.pallas import tpu as pltpu
from jax.experimental.pallas import tpu_sc as plsc

NC, NS = 2, 16
NW = NC * NS
CHUNK = 128
SUPER = 40


def _mm_body(x_ref, w_ref, o_ref):
    o_ref[...] = jnp.dot(x_ref[...], w_ref[...],
                         preferred_element_type=jnp.float32)


def _relu_mm_body(p_ref, w_ref, o_ref):
    h = jnp.maximum(p_ref[0] + p_ref[1], 0.0)
    o_ref[...] = jnp.dot(h, w_ref[...], preferred_element_type=jnp.float32)


def _readout_body(q_ref, o_ref):
    i = pl.program_id(0)
    h = jnp.maximum(q_ref[0] + q_ref[1], 0.0)
    s = jnp.sum(h, axis=0, keepdims=True)

    @pl.when(i == 0)
    def _():
        o_ref[...] = s

    @pl.when(i > 0)
    def _():
        o_ref[...] += s


def _tc_matmul(x, w, block_rows):
    n, d = x.shape
    grid = n // block_rows
    return pl.pallas_call(
        _mm_body,
        grid=(grid,),
        in_specs=[
            pl.BlockSpec((block_rows, d), lambda i: (i, 0)),
            pl.BlockSpec((d, w.shape[1]), lambda i: (0, 0)),
        ],
        out_specs=pl.BlockSpec((block_rows, w.shape[1]), lambda i: (i, 0)),
        out_shape=jax.ShapeDtypeStruct((n, w.shape[1]), jnp.float32),
    )(x, w)


def _tc_relu_matmul(p, w, block_rows):
    _, n, d = p.shape
    grid = n // block_rows
    return pl.pallas_call(
        _relu_mm_body,
        grid=(grid,),
        in_specs=[
            pl.BlockSpec((2, block_rows, d), lambda i: (0, i, 0)),
            pl.BlockSpec((d, w.shape[1]), lambda i: (0, 0)),
        ],
        out_specs=pl.BlockSpec((block_rows, w.shape[1]), lambda i: (i, 0)),
        out_shape=jax.ShapeDtypeStruct((n, w.shape[1]), jnp.float32),
    )(p, w)


def _tc_readout(q, block_rows):
    _, n, d = q.shape
    grid = n // block_rows
    out = pl.pallas_call(
        _readout_body,
        grid=(grid,),
        in_specs=[pl.BlockSpec((2, block_rows, d), lambda i: (0, i, 0))],
        out_specs=pl.BlockSpec((1, d), lambda i: (0, 0)),
        out_shape=jax.ShapeDtypeStruct((1, d), jnp.float32),
    )(q)
    return out.reshape(d)


def _make_sc_agg(npad, d, nsuper):
    rows_pt = npad // NS
    npairs = SUPER // 2

    mesh = plsc.VectorSubcoreMesh(
        core_axis_name="c", subcore_axis_name="s",
        num_cores=NC, num_subcores=NS)

    @functools.partial(
        pl.kernel,
        out_type=jax.ShapeDtypeStruct((NC, npad, d), jnp.float32),
        mesh=mesh,
        scratch_types=[
            pltpu.VMEM((2, SUPER, CHUNK), jnp.int32),
            pltpu.VMEM((CHUNK, d), jnp.float32),
            pltpu.VMEM((CHUNK, d), jnp.float32),
            pltpu.VMEM_SHARED((npad, d), jnp.float32),
            pltpu.SemaphoreType.DMA,
            pltpu.SemaphoreType.DMA,
        ],
    )
    def agg(y_hbm, idx_hbm, zero_hbm, out_hbm,
            idx_v, rows_a, rows_b, acc, sem_a, sem_b):
        c = lax.axis_index("c")
        s = lax.axis_index("s")
        wid = s * NC + c
        row0 = pl.multiple_of(s * rows_pt, 8)

        pltpu.sync_copy(zero_hbm.at[pl.ds(row0, rows_pt)],
                        acc.at[pl.ds(row0, rows_pt)])
        plsc.subcore_barrier()

        def gather(i, rows, sem):
            pltpu.async_copy(y_hbm.at[idx_v.at[0, i]], rows, sem)

        def wait(rows, sem):
            pltpu.make_async_copy(y_hbm.at[idx_v.at[0, 0]], rows, sem).wait()

        def scatter(i, rows):
            pltpu.sync_copy(rows, acc.at[idx_v.at[1, i]], add=True)

        def superchunk(sc, carry):
            pltpu.sync_copy(idx_hbm.at[wid, sc], idx_v)
            gather(0, rows_a, sem_a)
            gather(1, rows_b, sem_b)

            def pair(j, carry2):
                i0 = j * 2
                wait(rows_a, sem_a)
                scatter(i0, rows_a)
                gather(i0 + 2, rows_a, sem_a)
                wait(rows_b, sem_b)
                scatter(i0 + 1, rows_b)
                gather(i0 + 3, rows_b, sem_b)
                return carry2

            lax.fori_loop(0, npairs - 1, pair, 0)
            wait(rows_a, sem_a)
            scatter(SUPER - 2, rows_a)
            wait(rows_b, sem_b)
            scatter(SUPER - 1, rows_b)
            return carry

        lax.fori_loop(0, nsuper, superchunk, 0)
        plsc.subcore_barrier()

        pltpu.sync_copy(acc.at[pl.ds(row0, rows_pt)],
                        out_hbm.at[c, pl.ds(row0, rows_pt)])

    return agg


def kernel(x, edge_index, W1, W2):
    n, d = x.shape
    e = edge_index.shape[1]

    npad = ((n + NS * 8 - 1) // (NS * 8)) * (NS * 8)
    if npad == n:
        npad += NS * 8
    grp = NW * SUPER * CHUNK
    epad = ((e + grp - 1) // grp) * grp
    nsuper = epad // grp
    pad_idx = n + jnp.arange(epad - e, dtype=jnp.int32) % (npad - n)
    src = jnp.concatenate([edge_index[0], pad_idx])
    dst = jnp.concatenate([edge_index[1], pad_idx])
    idx = jnp.stack([src.reshape(NW, nsuper, SUPER, CHUNK),
                     dst.reshape(NW, nsuper, SUPER, CHUNK)], axis=2)

    xp = jnp.zeros((npad, d), jnp.float32).at[:n].set(x)
    zeros = jnp.zeros((npad, d), jnp.float32)

    block_rows = npad
    agg = _make_sc_agg(npad, d, nsuper)

    y1 = _tc_matmul(xp, W1, block_rows)
    p1 = agg(y1, idx, zeros)
    y2 = _tc_relu_matmul(p1, W2, block_rows)
    p2 = agg(y2, idx, zeros)
    return _tc_readout(p2, block_rows)

# --- scband reference (transcript-rebuilt; emitter-appended) ---
"""Pipeline reference for scband-dglgraph-481036337292 (READ-ONLY COPY).

The authoritative reference and input builder live on the scoring server;
editing this copy changes nothing except your own understanding.
"""

import jax, jax.numpy as jnp
import numpy as np

N_NODES = 10000
N_EDGES = 320000
D_IN = 128
DIMS = [128, 128]


def setup_inputs(seed: int = 0) -> dict:
    key = jax.random.key(seed)
    k1, k2, k3, k4 = jax.random.split(key, 4)
    x = jax.random.normal(k1, (N_NODES, D_IN), dtype=jnp.float32)
    edge_index = jax.random.randint(k2, (2, N_EDGES), 0, N_NODES, dtype=jnp.int32)
    W1 = jax.random.normal(k3, (D_IN, DIMS[0]), dtype=jnp.float32) * (1.0 / np.sqrt(D_IN))
    W2 = jax.random.normal(k4, (DIMS[0], DIMS[1]), dtype=jnp.float32) * (1.0 / np.sqrt(DIMS[0]))
    return {"x": x, "edge_index": edge_index, "W1": W1, "W2": W2}


def reference(x, edge_index, W1, W2):
    # DGLGraph forward: stack of GCNLayers, each layer does
    #   message passing (sum-aggregate neighbor features over edges),
    #   linear transform (bias=False), relu activation,
    #   and a 'sum' pooling readout h over nodes.
    # Final output is the readout h of the last layer.
    src = edge_index[0]
    dst = edge_index[1]
    h_nodes = x
    for W in (W1, W2):
        msgs = h_nodes[src]                                        # gather: [E, d]
        agg = jax.ops.segment_sum(msgs, dst, num_segments=N_NODES)  # scatter-add: [N, d]
        h_nodes = jax.nn.relu(agg @ W)                              # linear (no bias) + relu
    h = jnp.sum(h_nodes, axis=0)  # pooling='sum' graph readout -> [d_out]
    return h

if __name__ == "__main__":
    import jax
    _d = setup_inputs()
    print(jax.jit(kernel)(*tuple(_d.values())))

</pallas_src>

<mosaic_0001>
#map = affine_map<(d0, d1) -> (0, 0)>
#map1 = affine_map<(d0, d1) -> (0, 0, 0, 0, 0)>
#map2 = affine_map<(d0, d1) -> (0, 0, 0)>
module attributes {stable_mosaic.version = 14 : i64} {
  func.func @agg(%arg0: i32, %arg1: i32, %arg2: memref<10112x128xf32, #tpu.memory_space<hbm>>, %arg3: memref<32x2x2x40x128xi32, #tpu.memory_space<hbm>>, %arg4: memref<10112x128xf32, #tpu.memory_space<hbm>>, %arg5: memref<2x10112x128xf32, #tpu.memory_space<hbm>>, %arg6: memref<2x40x128xi32, #tpu.memory_space<vmem>>, %arg7: memref<128x128xf32, #tpu.memory_space<vmem>>, %arg8: memref<128x128xf32, #tpu.memory_space<vmem>>, %arg9: memref<10112x128xf32, #tpu.memory_space<vmem_shared>>, %arg10: memref<!tpu.dma_semaphore, #tpu.memory_space<semaphore_mem>>, %arg11: memref<!tpu.dma_semaphore, #tpu.memory_space<semaphore_mem>>) attributes {dimension_semantics = [#tpu.dimension_semantics<core_parallel>, #tpu.dimension_semantics<subcore_parallel>], iteration_bounds = array<i64: 2, 16>, scalar_prefetch = 0 : i64, scratch_operands = 6 : i64, tpu.core_type = #tpu.core_type<sc_vector_subcore>, window_params = [{transform_indices = #map}, {transform_indices = #map1}, {transform_indices = #map}, {transform_indices = #map2}]} {
    %mul3A = arith.constant 2 : i32
    %mul3A_0 = arith.muli %arg1, %mul3A : i32
    %add3A = arith.addi %mul3A_0, %arg0 : i32
    %mul3A_1 = arith.constant 632 : i32
    %mul3A_2 = arith.muli %arg1, %mul3A_1 : i32
    %multiple_of3A = tpu.assume_multiple %mul3A_2, 8 : i32
    "tpu.region"() ({
      %run_scoped3A = tpu.sem_alloc : memref<!tpu.dma_semaphore, #tpu.memory_space<semaphore_mem>>
      %dma_start3A = arith.constant 0 : i32
      %dma_start3A_9 = tpu.memref_slice %arg9[%multiple_of3A, %dma_start3A] : memref<10112x128xf32, #tpu.memory_space<vmem_shared>> -> memref<632x128xf32, #tpu.memory_space<vmem_shared>>
      %dma_start3A_10 = arith.constant 0 : i32
      %dma_start3A_11 = tpu.memref_slice %arg4[%multiple_of3A, %dma_start3A_10] : memref<10112x128xf32, #tpu.memory_space<hbm>> -> memref<632x128xf32, #tpu.memory_space<hbm>>
      tpu.enqueue_dma source(%dma_start3A_11 : memref<632x128xf32, #tpu.memory_space<hbm>>) target(%dma_start3A_9 : memref<632x128xf32, #tpu.memory_space<vmem_shared>>) target_semaphore(%run_scoped3A : memref<!tpu.dma_semaphore, #tpu.memory_space<semaphore_mem>>)
      %dma_wait3A = arith.constant 0 : i32
      %dma_wait3A_12 = tpu.memref_slice %arg9[%multiple_of3A, %dma_wait3A] : memref<10112x128xf32, #tpu.memory_space<vmem_shared>> -> memref<632x128xf32, #tpu.memory_space<vmem_shared>>
      %dma_wait3A_13 = arith.constant 0 : i32
      %dma_wait3A_14 = tpu.memref_slice %arg4[%multiple_of3A, %dma_wait3A_13] : memref<10112x128xf32, #tpu.memory_space<hbm>> -> memref<632x128xf32, #tpu.memory_space<hbm>>
      tpu.wait_dma2 semaphore(%run_scoped3A : memref<!tpu.dma_semaphore, #tpu.memory_space<semaphore_mem>>) src(%dma_wait3A_14 : memref<632x128xf32, #tpu.memory_space<hbm>>) dst(%dma_wait3A_12 : memref<632x128xf32, #tpu.memory_space<vmem_shared>>)
      tpu.yield
    }) : () -> ()
    %barrier3A = arith.constant 0 : index
    tpu.barrier barrier_id(%barrier3A)
    %scan3A = arith.constant 0 : i32
    %scan3A_3 = arith.constant 0 : i32
    %scan3A_4 = arith.constant 2 : i32
    %scan3A_5 = arith.addi %scan3A_3, %scan3A_4 : i32
    %scan3A_6 = arith.constant 1 : i32
    scf.for %scan3A_9 = %scan3A_3 to %scan3A_5 step %scan3A_6  : i32 {
      "tpu.region"() ({
        %run_scoped3A_49 = tpu.sem_alloc : memref<!tpu.dma_semaphore, #tpu.memory_space<semaphore_mem>>
        %dma_start3A_50 = arith.constant 0 : i32
        %dma_start3A_51 = arith.constant 0 : i32
        %dma_start3A_52 = arith.constant 0 : i32
        %dma_start3A_53 = tpu.memref_slice %arg3[%add3A, %scan3A_9, %dma_start3A_50, %dma_start3A_51, %dma_start3A_52] : memref<32x2x2x40x128xi32, #tpu.memory_space<hbm>> -> memref<1x1x2x40x128xi32, #tpu.memory_space<hbm>>
        %dma_start3A_54 = tpu.memref_squeeze %dma_start3A_53 : memref<1x1x2x40x128xi32, #tpu.memory_space<hbm>> -> memref<2x40x128xi32, #tpu.memory_space<hbm>>
        %dma_start3A_55 = arith.constant 0 : i32
        %dma_start3A_56 = arith.constant 0 : i32
        %dma_start3A_57 = arith.constant 0 : i32
        %dma_start3A_58 = tpu.memref_slice %arg3[%add3A, %scan3A_9, %dma_start3A_55, %dma_start3A_56, %dma_start3A_57] : memref<32x2x2x40x128xi32, #tpu.memory_space<hbm>> -> memref<1x1x2x40x128xi32, #tpu.memory_space<hbm>>
        %dma_start3A_59 = tpu.memref_squeeze %dma_start3A_58 : memref<1x1x2x40x128xi32, #tpu.memory_space<hbm>> -> memref<2x40x128xi32, #tpu.memory_space<hbm>>
        tpu.enqueue_dma source(%dma_start3A_59 : memref<2x40x128xi32, #tpu.memory_space<hbm>>) target(%arg6 : memref<2x40x128xi32, #tpu.memory_space<vmem>>) target_semaphore(%run_scoped3A_49 : memref<!tpu.dma_semaphore, #tpu.memory_space<semaphore_mem>>)
        %dma_wait3A_60 = arith.constant 0 : i32
        %dma_wait3A_61 = arith.constant 0 : i32
        %dma_wait3A_62 = arith.constant 0 : i32
        %dma_wait3A_63 = tpu.memref_slice %arg3[%add3A, %scan3A_9, %dma_wait3A_60, %dma_wait3A_61, %dma_wait3A_62] : memref<32x2x2x40x128xi32, #tpu.memory_space<hbm>> -> memref<1x1x2x40x128xi32, #tpu.memory_space<hbm>>
        %dma_wait3A_64 = tpu.memref_squeeze %dma_wait3A_63 : memref<1x1x2x40x128xi32, #tpu.memory_space<hbm>> -> memref<2x40x128xi32, #tpu.memory_space<hbm>>
        %dma_wait3A_65 = arith.constant 0 : i32
        %dma_wait3A_66 = arith.constant 0 : i32
        %dma_wait3A_67 = arith.constant 0 : i32
        %dma_wait3A_68 = tpu.memref_slice %arg3[%add3A, %scan3A_9, %dma_wait3A_65, %dma_wait3A_66, %dma_wait3A_67] : memref<32x2x2x40x128xi32, #tpu.memory_space<hbm>> -> memref<1x1x2x40x128xi32, #tpu.memory_space<hbm>>
        %dma_wait3A_69 = tpu.memref_squeeze %dma_wait3A_68 : memref<1x1x2x40x128xi32, #tpu.memory_space<hbm>> -> memref<2x40x128xi32, #tpu.memory_space<hbm>>
        tpu.wait_dma2 semaphore(%run_scoped3A_49 : memref<!tpu.dma_semaphore, #tpu.memory_space<semaphore_mem>>) src(%dma_wait3A_69 : memref<2x40x128xi32, #tpu.memory_space<hbm>>) dst(%arg6 : memref<2x40x128xi32, #tpu.memory_space<vmem>>)
        tpu.yield
      }) : () -> ()
      %dma_start3A = arith.constant 0 : i32
      %dma_start3A_10 = arith.constant 0 : i32
      %dma_start3A_11 = arith.constant 0 : i32
      %dma_start3A_12 = tpu.memref_slice %arg6[%dma_start3A, %dma_start3A_10, %dma_start3A_11] : memref<2x40x128xi32, #tpu.memory_space<vmem>> -> memref<1x1x128xi32, #tpu.memory_space<vmem>>
      %dma_start3A_13 = tpu.memref_squeeze %dma_start3A_12 : memref<1x1x128xi32, #tpu.memory_space<vmem>> -> memref<128xi32, #tpu.memory_space<vmem>>
      %dma_start3A_14 = arith.constant 0 : i32
      %dma_start3A_15 = arith.constant 0 : i32
      %dma_start3A_16 = tpu.memref_slice %arg2[%dma_start3A_14, %dma_start3A_15] : memref<10112x128xf32, #tpu.memory_space<hbm>> -> memref<10112x128xf32, #tpu.memory_space<hbm>>
      tpu.enqueue_indirect_dma source(%dma_start3A_16 : memref<10112x128xf32, #tpu.memory_space<hbm>>) target(%arg7 : memref<128x128xf32, #tpu.memory_space<vmem>>) offsets(%dma_start3A_13 : memref<128xi32, #tpu.memory_space<vmem>>) semaphore(%arg10 : memref<!tpu.dma_semaphore, #tpu.memory_space<semaphore_mem>>)
      %dma_start3A_17 = arith.constant 0 : i32
      %dma_start3A_18 = arith.constant 1 : i32
      %dma_start3A_19 = arith.constant 0 : i32
      %dma_start3A_20 = tpu.memref_slice %arg6[%dma_start3A_17, %dma_start3A_18, %dma_start3A_19] : memref<2x40x128xi32, #tpu.memory_space<vmem>> -> memref<1x1x128xi32, #tpu.memory_space<vmem>>
      %dma_start3A_21 = tpu.memref_squeeze %dma_start3A_20 : memref<1x1x128xi32, #tpu.memory_space<vmem>> -> memref<128xi32, #tpu.memory_space<vmem>>
      %dma_start3A_22 = arith.constant 0 : i32
      %dma_start3A_23 = arith.constant 0 : i32
      %dma_start3A_24 = tpu.memref_slice %arg2[%dma_start3A_22, %dma_start3A_23] : memref<10112x128xf32, #tpu.memory_space<hbm>> -> memref<10112x128xf32, #tpu.memory_space<hbm>>
      tpu.enqueue_indirect_dma source(%dma_start3A_24 : memref<10112x128xf32, #tpu.memory_space<hbm>>) target(%arg8 : memref<128x128xf32, #tpu.memory_space<vmem>>) offsets(%dma_start3A_21 : memref<128xi32, #tpu.memory_space<vmem>>) semaphore(%arg11 : memref<!tpu.dma_semaphore, #tpu.memory_space<semaphore_mem>>)
      %scan3A_25 = arith.constant 0 : i32
      %scan3A_26 = arith.constant 0 : i32
      %scan3A_27 = arith.constant 19 : i32
      %scan3A_28 = arith.addi %scan3A_26, %scan3A_27 : i32
      %scan3A_29 = arith.constant 1 : i32
      scf.for %scan3A_49 = %scan3A_26 to %scan3A_28 step %scan3A_29  : i32 {
        %mul3A_50 = arith.constant 2 : i32
        %mul3A_51 = arith.muli %scan3A_49, %mul3A_50 : i32
        %dma_wait3A_52 = arith.constant 0 : i32
        %dma_wait3A_53 = arith.constant 0 : i32
        %dma_wait3A_54 = arith.constant 0 : i32
        %dma_wait3A_55 = tpu.memref_slice %arg6[%dma_wait3A_52, %dma_wait3A_53, %dma_wait3A_54] : memref<2x40x128xi32, #tpu.memory_space<vmem>> -> memref<1x1x128xi32, #tpu.memory_space<vmem>>
        %dma_wait3A_56 = tpu.memref_squeeze %dma_wait3A_55 : memref<1x1x128xi32, #tpu.memory_space<vmem>> -> memref<128xi32, #tpu.memory_space<vmem>>
        %dma_wait3A_57 = arith.constant 0 : i32
        %dma_wait3A_58 = arith.constant 0 : i32
        %dma_wait3A_59 = tpu.memref_slice %arg2[%dma_wait3A_57, %dma_wait3A_58] : memref<10112x128xf32, #tpu.memory_space<hbm>> -> memref<10112x128xf32, #tpu.memory_space<hbm>>
        tpu.wait_indirect_dma semaphore(%arg10 : memref<!tpu.dma_semaphore, #tpu.memory_space<semaphore_mem>>) src(%dma_wait3A_59 : memref<10112x128xf32, #tpu.memory_space<hbm>>) dst(%arg7 : memref<128x128xf32, #tpu.memory_space<vmem>>)
        %run_scoped3A_60 = arith.constant 1 : i32
        "tpu.region"() ({
          %run_scoped3A_90 = tpu.sem_alloc : memref<!tpu.dma_semaphore, #tpu.memory_space<semaphore_mem>>
          %dma_start3A_91 = arith.constant 0 : i32
          %dma_start3A_92 = tpu.memref_slice %arg6[%run_scoped3A_60, %mul3A_51, %dma_start3A_91] : memref<2x40x128xi32, #tpu.memory_space<vmem>> -> memref<1x1x128xi32, #tpu.memory_space<vmem>>
          %dma_start3A_93 = tpu.memref_squeeze %dma_start3A_92 : memref<1x1x128xi32, #tpu.memory_space<vmem>> -> memref<128xi32, #tpu.memory_space<vmem>>
          %dma_start3A_94 = arith.constant 0 : i32
          %dma_start3A_95 = arith.constant 0 : i32
          %dma_start3A_96 = tpu.memref_slice %arg9[%dma_start3A_94, %dma_start3A_95] : memref<10112x128xf32, #tpu.memory_space<vmem_shared>> -> memref<10112x128xf32, #tpu.memory_space<vmem_shared>>
          tpu.enqueue_indirect_dma source(%arg7 : memref<128x128xf32, #tpu.memory_space<vmem>>) target(%dma_start3A_96 : memref<10112x128xf32, #tpu.memory_space<vmem_shared>>) offsets(%dma_start3A_93 : memref<128xi32, #tpu.memory_space<vmem>>) semaphore(%run_scoped3A_90 : memref<!tpu.dma_semaphore, #tpu.memory_space<semaphore_mem>>) {add = true}
          %dma_wait3A_97 = arith.constant 0 : i32
          %dma_wait3A_98 = tpu.memref_slice %arg6[%run_scoped3A_60, %mul3A_51, %dma_wait3A_97] : memref<2x40x128xi32, #tpu.memory_space<vmem>> -> memref<1x1x128xi32, #tpu.memory_space<vmem>>
          %dma_wait3A_99 = tpu.memref_squeeze %dma_wait3A_98 : memref<1x1x128xi32, #tpu.memory_space<vmem>> -> memref<128xi32, #tpu.memory_space<vmem>>
          %dma_wait3A_100 = arith.constant 0 : i32
          %dma_wait3A_101 = arith.constant 0 : i32
          %dma_wait3A_102 = tpu.memref_slice %arg9[%dma_wait3A_100, %dma_wait3A_101] : memref<10112x128xf32, #tpu.memory_space<vmem_shared>> -> memref<10112x128xf32, #tpu.memory_space<vmem_shared>>
          tpu.wait_indirect_dma semaphore(%run_scoped3A_90 : memref<!tpu.dma_semaphore, #tpu.memory_space<semaphore_mem>>) src(%arg7 : memref<128x128xf32, #tpu.memory_space<vmem>>) dst(%dma_wait3A_102 : memref<10112x128xf32, #tpu.memory_space<vmem_shared>>)
          tpu.yield
        }) : () -> ()
        %add3A_61 = arith.constant 2 : i32
        %add3A_62 = arith.addi %mul3A_51, %add3A_61 : i32
        %dma_start3A_63 = arith.constant 0 : i32
        %dma_start3A_64 = arith.constant 0 : i32
        %dma_start3A_65 = tpu.memref_slice %arg6[%dma_start3A_63, %add3A_62, %dma_start3A_64] : memref<2x40x128xi32, #tpu.memory_space<vmem>> -> memref<1x1x128xi32, #tpu.memory_space<vmem>>
        %dma_start3A_66 = tpu.memref_squeeze %dma_start3A_65 : memref<1x1x128xi32, #tpu.memory_space<vmem>> -> memref<128xi32, #tpu.memory_space<vmem>>
        %dma_start3A_67 = arith.constant 0 : i32
        %dma_start3A_68 = arith.constant 0 : i32
        %dma_start3A_69 = tpu.memref_slice %arg2[%dma_start3A_67, %dma_start3A_68] : memref<10112x128xf32, #tpu.memory_space<hbm>> -> memref<10112x128xf32, #tpu.memory_space<hbm>>
        tpu.enqueue_indirect_dma source(%dma_start3A_69 : memref<10112x128xf32, #tpu.memory_space<hbm>>) target(%arg7 : memref<128x128xf32, #tpu.memory_space<vmem>>) offsets(%dma_start3A_66 : memref<128xi32, #tpu.memory_space<vmem>>) semaphore(%arg10 : memref<!tpu.dma_semaphore, #tpu.memory_space<semaphore_mem>>)
        %dma_wait3A_70 = arith.constant 0 : i32
        %dma_wait3A_71 = arith.constant 0 : i32
        %dma_wait3A_72 = arith.constant 0 : i32
        %dma_wait3A_73 = tpu.memref_slice %arg6[%dma_wait3A_70, %dma_wait3A_71, %dma_wait3A_72] : memref<2x40x128xi32, #tpu.memory_space<vmem>> -> memref<1x1x128xi32, #tpu.memory_space<vmem>>
        %dma_wait3A_74 = tpu.memref_squeeze %dma_wait3A_73 : memref<1x1x128xi32, #tpu.memory_space<vmem>> -> memref<128xi32, #tpu.memory_space<vmem>>
        %dma_wait3A_75 = arith.constant 0 : i32
        %dma_wait3A_76 = arith.constant 0 : i32
        %dma_wait3A_77 = tpu.memref_slice %arg2[%dma_wait3A_75, %dma_wait3A_76] : memref<10112x128xf32, #tpu.memory_space<hbm>> -> memref<10112x128xf32, #tpu.memory_space<hbm>>
        tpu.wait_indirect_dma semaphore(%arg11 : memref<!tpu.dma_semaphore, #tpu.memory_space<semaphore_mem>>) src(%dma_wait3A_77 : memref<10112x128xf32, #tpu.memory_space<hbm>>) dst(%arg8 : memref<128x128xf32, #tpu.memory_space<vmem>>)
        %add3A_78 = arith.constant 1 : i32
        %add3A_79 = arith.addi %mul3A_51, %add3A_78 : i32
        %run_scoped3A_80 = arith.constant 1 : i32
        "tpu.region"() ({
          %run_scoped3A_90 = tpu.sem_alloc : memref<!tpu.dma_semaphore, #tpu.memory_space<semaphore_mem>>
          %dma_start3A_91 = arith.constant 0 : i32
          %dma_start3A_92 = tpu.memref_slice %arg6[%run_scoped3A_80, %add3A_79, %dma_start3A_91] : memref<2x40x128xi32, #tpu.memory_space<vmem>> -> memref<1x1x128xi32, #tpu.memory_space<vmem>>
          %dma_start3A_93 = tpu.memref_squeeze %dma_start3A_92 : memref<1x1x128xi32, #tpu.memory_space<vmem>> -> memref<128xi32, #tpu.memory_space<vmem>>
          %dma_start3A_94 = arith.constant 0 : i32
          %dma_start3A_95 = arith.constant 0 : i32
          %dma_start3A_96 = tpu.memref_slice %arg9[%dma_start3A_94, %dma_start3A_95] : memref<10112x128xf32, #tpu.memory_space<vmem_shared>> -> memref<10112x128xf32, #tpu.memory_space<vmem_shared>>
          tpu.enqueue_indirect_dma source(%arg8 : memref<128x128xf32, #tpu.memory_space<vmem>>) target(%dma_start3A_96 : memref<10112x128xf32, #tpu.memory_space<vmem_shared>>) offsets(%dma_start3A_93 : memref<128xi32, #tpu.memory_space<vmem>>) semaphore(%run_scoped3A_90 : memref<!tpu.dma_semaphore, #tpu.memory_space<semaphore_mem>>) {add = true}
          %dma_wait3A_97 = arith.constant 0 : i32
          %dma_wait3A_98 = tpu.memref_slice %arg6[%run_scoped3A_80, %add3A_79, %dma_wait3A_97] : memref<2x40x128xi32, #tpu.memory_space<vmem>> -> memref<1x1x128xi32, #tpu.memory_space<vmem>>
          %dma_wait3A_99 = tpu.memref_squeeze %dma_wait3A_98 : memref<1x1x128xi32, #tpu.memory_space<vmem>> -> memref<128xi32, #tpu.memory_space<vmem>>
          %dma_wait3A_100 = arith.constant 0 : i32
          %dma_wait3A_101 = arith.constant 0 : i32
          %dma_wait3A_102 = tpu.memref_slice %arg9[%dma_wait3A_100, %dma_wait3A_101] : memref<10112x128xf32, #tpu.memory_space<vmem_shared>> -> memref<10112x128xf32, #tpu.memory_space<vmem_shared>>
          tpu.wait_indirect_dma semaphore(%run_scoped3A_90 : memref<!tpu.dma_semaphore, #tpu.memory_space<semaphore_mem>>) src(%arg8 : memref<128x128xf32, #tpu.memory_space<vmem>>) dst(%dma_wait3A_102 : memref<10112x128xf32, #tpu.memory_space<vmem_shared>>)
          tpu.yield
        }) : () -> ()
        %add3A_81 = arith.constant 3 : i32
        %add3A_82 = arith.addi %mul3A_51, %add3A_81 : i32
        %dma_start3A_83 = arith.constant 0 : i32
        %dma_start3A_84 = arith.constant 0 : i32
        %dma_start3A_85 = tpu.memref_slice %arg6[%dma_start3A_83, %add3A_82, %dma_start3A_84] : memref<2x40x128xi32, #tpu.memory_space<vmem>> -> memref<1x1x128xi32, #tpu.memory_space<vmem>>
        %dma_start3A_86 = tpu.memref_squeeze %dma_start3A_85 : memref<1x1x128xi32, #tpu.memory_space<vmem>> -> memref<128xi32, #tpu.memory_space<vmem>>
        %dma_start3A_87 = arith.constant 0 : i32
        %dma_start3A_88 = arith.constant 0 : i32
        %dma_start3A_89 = tpu.memref_slice %arg2[%dma_start3A_87, %dma_start3A_88] : memref<10112x128xf32, #tpu.memory_space<hbm>> -> memref<10112x128xf32, #tpu.memory_space<hbm>>
        tpu.enqueue_indirect_dma source(%dma_start3A_89 : memref<10112x128xf32, #tpu.memory_space<hbm>>) target(%arg8 : memref<128x128xf32, #tpu.memory_space<vmem>>) offsets(%dma_start3A_86 : memref<128xi32, #tpu.memory_space<vmem>>) semaphore(%arg11 : memref<!tpu.dma_semaphore, #tpu.memory_space<semaphore_mem>>)
      }
      %scan3A_30 = arith.constant 19 : i32
      %dma_wait3A = arith.constant 0 : i32
      %dma_wait3A_31 = arith.constant 0 : i32
      %dma_wait3A_32 = arith.constant 0 : i32
      %dma_wait3A_33 = tpu.memref_slice %arg6[%dma_wait3A, %dma_wait3A_31, %dma_wait3A_32] : memref<2x40x128xi32, #tpu.memory_space<vmem>> -> memref<1x1x128xi32, #tpu.memory_space<vmem>>
      %dma_wait3A_34 = tpu.memref_squeeze %dma_wait3A_33 : memref<1x1x128xi32, #tpu.memory_space<vmem>> -> memref<128xi32, #tpu.memory_space<vmem>>
      %dma_wait3A_35 = arith.constant 0 : i32
      %dma_wait3A_36 = arith.constant 0 : i32
      %dma_wait3A_37 = tpu.memref_slice %arg2[%dma_wait3A_35, %dma_wait3A_36] : memref<10112x128xf32, #tpu.memory_space<hbm>> -> memref<10112x128xf32, #tpu.memory_space<hbm>>
      tpu.wait_indirect_dma semaphore(%arg10 : memref<!tpu.dma_semaphore, #tpu.memory_space<semaphore_mem>>) src(%dma_wait3A_37 : memref<10112x128xf32, #tpu.memory_space<hbm>>) dst(%arg7 : memref<128x128xf32, #tpu.memory_space<vmem>>)
      %run_scoped3A = arith.constant 1 : i32
      %run_scoped3A_38 = arith.constant 38 : i32
      "tpu.region"() ({
        %run_scoped3A_49 = tpu.sem_alloc : memref<!tpu.dma_semaphore, #tpu.memory_space<semaphore_mem>>
        %dma_start3A_50 = arith.constant 0 : i32
        %dma_start3A_51 = tpu.memref_slice %arg6[%run_scoped3A, %run_scoped3A_38, %dma_start3A_50] : memref<2x40x128xi32, #tpu.memory_space<vmem>> -> memref<1x1x128xi32, #tpu.memory_space<vmem>>
        %dma_start3A_52 = tpu.memref_squeeze %dma_start3A_51 : memref<1x1x128xi32, #tpu.memory_space<vmem>> -> memref<128xi32, #tpu.memory_space<vmem>>
        %dma_start3A_53 = arith.constant 0 : i32
        %dma_start3A_54 = arith.constant 0 : i32
        %dma_start3A_55 = tpu.memref_slice %arg9[%dma_start3A_53, %dma_start3A_54] : memref<10112x128xf32, #tpu.memory_space<vmem_shared>> -> memref<10112x128xf32, #tpu.memory_space<vmem_shared>>
        tpu.enqueue_indirect_dma source(%arg7 : memref<128x128xf32, #tpu.memory_space<vmem>>) target(%dma_start3A_55 : memref<10112x128xf32, #tpu.memory_space<vmem_shared>>) offsets(%dma_start3A_52 : memref<128xi32, #tpu.memory_space<vmem>>) semaphore(%run_scoped3A_49 : memref<!tpu.dma_semaphore, #tpu.memory_space<semaphore_mem>>) {add = true}
        %dma_wait3A_56 = arith.constant 0 : i32
        %dma_wait3A_57 = tpu.memref_slice %arg6[%run_scoped3A, %run_scoped3A_38, %dma_wait3A_56] : memref<2x40x128xi32, #tpu.memory_space<vmem>> -> memref<1x1x128xi32, #tpu.memory_space<vmem>>
        %dma_wait3A_58 = tpu.memref_squeeze %dma_wait3A_57 : memref<1x1x128xi32, #tpu.memory_space<vmem>> -> memref<128xi32, #tpu.memory_space<vmem>>
        %dma_wait3A_59 = arith.constant 0 : i32
        %dma_wait3A_60 = arith.constant 0 : i32
        %dma_wait3A_61 = tpu.memref_slice %arg9[%dma_wait3A_59, %dma_wait3A_60] : memref<10112x128xf32, #tpu.memory_space<vmem_shared>> -> memref<10112x128xf32, #tpu.memory_space<vmem_shared>>
        tpu.wait_indirect_dma semaphore(%run_scoped3A_49 : memref<!tpu.dma_semaphore, #tpu.memory_space<semaphore_mem>>) src(%arg7 : memref<128x128xf32, #tpu.memory_space<vmem>>) dst(%dma_wait3A_61 : memref<10112x128xf32, #tpu.memory_space<vmem_shared>>)
        tpu.yield
      }) : () -> ()
      %dma_wait3A_39 = arith.constant 0 : i32
      %dma_wait3A_40 = arith.constant 0 : i32
      %dma_wait3A_41 = arith.constant 0 : i32
      %dma_wait3A_42 = tpu.memref_slice %arg6[%dma_wait3A_39, %dma_wait3A_40, %dma_wait3A_41] : memref<2x40x128xi32, #tpu.memory_space<vmem>> -> memref<1x1x128xi32, #tpu.memory_space<vmem>>
      %dma_wait3A_43 = tpu.memref_squeeze %dma_wait3A_42 : memref<1x1x128xi32, #tpu.memory_space<vmem>> -> memref<128xi32, #tpu.memory_space<vmem>>
      %dma_wait3A_44 = arith.constant 0 : i32
      %dma_wait3A_45 = arith.constant 0 : i32
      %dma_wait3A_46 = tpu.memref_slice %arg2[%dma_wait3A_44, %dma_wait3A_45] : memref<10112x128xf32, #tpu.memory_space<hbm>> -> memref<10112x128xf32, #tpu.memory_space<hbm>>
      tpu.wait_indirect_dma semaphore(%arg11 : memref<!tpu.dma_semaphore, #tpu.memory_space<semaphore_mem>>) src(%dma_wait3A_46 : memref<10112x128xf32, #tpu.memory_space<hbm>>) dst(%arg8 : memref<128x128xf32, #tpu.memory_space<vmem>>)
      %run_scoped3A_47 = arith.constant 1 : i32
      %run_scoped3A_48 = arith.constant 39 : i32
      "tpu.region"() ({
        %run_scoped3A_49 = tpu.sem_alloc : memref<!tpu.dma_semaphore, #tpu.memory_space<semaphore_mem>>
        %dma_start3A_50 = arith.constant 0 : i32
        %dma_start3A_51 = tpu.memref_slice %arg6[%run_scoped3A_47, %run_scoped3A_48, %dma_start3A_50] : memref<2x40x128xi32, #tpu.memory_space<vmem>> -> memref<1x1x128xi32, #tpu.memory_space<vmem>>
        %dma_start3A_52 = tpu.memref_squeeze %dma_start3A_51 : memref<1x1x128xi32, #tpu.memory_space<vmem>> -> memref<128xi32, #tpu.memory_space<vmem>>
        %dma_start3A_53 = arith.constant 0 : i32
        %dma_start3A_54 = arith.constant 0 : i32
        %dma_start3A_55 = tpu.memref_slice %arg9[%dma_start3A_53, %dma_start3A_54] : memref<10112x128xf32, #tpu.memory_space<vmem_shared>> -> memref<10112x128xf32, #tpu.memory_space<vmem_shared>>
        tpu.enqueue_indirect_dma source(%arg8 : memref<128x128xf32, #tpu.memory_space<vmem>>) target(%dma_start3A_55 : memref<10112x128xf32, #tpu.memory_space<vmem_shared>>) offsets(%dma_start3A_52 : memref<128xi32, #tpu.memory_space<vmem>>) semaphore(%run_scoped3A_49 : memref<!tpu.dma_semaphore, #tpu.memory_space<semaphore_mem>>) {add = true}
        %dma_wait3A_56 = arith.constant 0 : i32
        %dma_wait3A_57 = tpu.memref_slice %arg6[%run_scoped3A_47, %run_scoped3A_48, %dma_wait3A_56] : memref<2x40x128xi32, #tpu.memory_space<vmem>> -> memref<1x1x128xi32, #tpu.memory_space<vmem>>
        %dma_wait3A_58 = tpu.memref_squeeze %dma_wait3A_57 : memref<1x1x128xi32, #tpu.memory_space<vmem>> -> memref<128xi32, #tpu.memory_space<vmem>>
        %dma_wait3A_59 = arith.constant 0 : i32
        %dma_wait3A_60 = arith.constant 0 : i32
        %dma_wait3A_61 = tpu.memref_slice %arg9[%dma_wait3A_59, %dma_wait3A_60] : memref<10112x128xf32, #tpu.memory_space<vmem_shared>> -> memref<10112x128xf32, #tpu.memory_space<vmem_shared>>
        tpu.wait_indirect_dma semaphore(%run_scoped3A_49 : memref<!tpu.dma_semaphore, #tpu.memory_space<semaphore_mem>>) src(%arg8 : memref<128x128xf32, #tpu.memory_space<vmem>>) dst(%dma_wait3A_61 : memref<10112x128xf32, #tpu.memory_space<vmem_shared>>)
        tpu.yield
      }) : () -> ()
    }
    %scan3A_7 = arith.constant 2 : i32
    %barrier3A_8 = arith.constant 0 : index
    tpu.barrier barrier_id(%barrier3A_8)
    "tpu.region"() ({
      %run_scoped3A = tpu.sem_alloc : memref<!tpu.dma_semaphore, #tpu.memory_space<semaphore_mem>>
      %dma_start3A = arith.constant 0 : i32
      %dma_start3A_9 = tpu.memref_slice %arg5[%arg0, %multiple_of3A, %dma_start3A] : memref<2x10112x128xf32, #tpu.memory_space<hbm>> -> memref<1x632x128xf32, #tpu.memory_space<hbm>>
      %dma_start3A_10 = tpu.memref_squeeze %dma_start3A_9 : memref<1x632x128xf32, #tpu.memory_space<hbm>> -> memref<632x128xf32, #tpu.memory_space<hbm>>
      %dma_start3A_11 = arith.constant 0 : i32
      %dma_start3A_12 = tpu.memref_slice %arg9[%multiple_of3A, %dma_start3A_11] : memref<10112x128xf32, #tpu.memory_space<vmem_shared>> -> memref<632x128xf32, #tpu.memory_space<vmem_shared>>
      tpu.enqueue_dma source(%dma_start3A_12 : memref<632x128xf32, #tpu.memory_space<vmem_shared>>) target(%dma_start3A_10 : memref<632x128xf32, #tpu.memory_space<hbm>>) target_semaphore(%run_scoped3A : memref<!tpu.dma_semaphore, #tpu.memory_space<semaphore_mem>>)
      %dma_wait3A = arith.constant 0 : i32
      %dma_wait3A_13 = tpu.memref_slice %arg5[%arg0, %multiple_of3A, %dma_wait3A] : memref<2x10112x128xf32, #tpu.memory_space<hbm>> -> memref<1x632x128xf32, #tpu.memory_space<hbm>>
      %dma_wait3A_14 = tpu.memref_squeeze %dma_wait3A_13 : memref<1x632x128xf32, #tpu.memory_space<hbm>> -> memref<632x128xf32, #tpu.memory_space<hbm>>
      %dma_wait3A_15 = arith.constant 0 : i32
      %dma_wait3A_16 = tpu.memref_slice %arg9[%multiple_of3A, %dma_wait3A_15] : memref<10112x128xf32, #tpu.memory_space<vmem_shared>> -> memref<632x128xf32, #tpu.memory_space<vmem_shared>>
      tpu.wait_dma2 semaphore(%run_scoped3A : memref<!tpu.dma_semaphore, #tpu.memory_space<semaphore_mem>>) src(%dma_wait3A_16 : memref<632x128xf32, #tpu.memory_space<vmem_shared>>) dst(%dma_wait3A_14 : memref<632x128xf32, #tpu.memory_space<hbm>>)
      tpu.yield
    }) : () -> ()
    return
  }
}

#map = affine_map<(d0, d1) -> (0, 0)>
#map1 = affine_map<(d0, d1) -> (0, 0, 0, 0, 0)>
#map2 = affine_map<(d0, d1) -> (0, 0, 0)>
module attributes {stable_mosaic.version = 14 : i64} {
  func.func @agg(%arg0: i32, %arg1: i32, %arg2: memref<10112x128xf32, #tpu.memory_space<hbm>>, %arg3: memref<32x2x2x40x128xi32, #tpu.memory_space<hbm>>, %arg4: memref<10112x128xf32, #tpu.memory_space<hbm>>, %arg5: memref<2x10112x128xf32, #tpu.memory_space<hbm>>, %arg6: memref<2x40x128xi32, #tpu.memory_space<vmem>>, %arg7: memref<128x128xf32, #tpu.memory_space<vmem>>, %arg8: memref<128x128xf32, #tpu.memory_space<vmem>>, %arg9: memref<10112x128xf32, #tpu.memory_space<vmem_shared>>, %arg10: memref<!tpu.dma_semaphore, #tpu.memory_space<semaphore_mem>>, %arg11: memref<!tpu.dma_semaphore, #tpu.memory_space<semaphore_mem>>) attributes {dimension_semantics = [#tpu.dimension_semantics<core_parallel>, #tpu.dimension_semantics<subcore_parallel>], iteration_bounds = array<i64: 2, 16>, scalar_prefetch = 0 : i64, scratch_operands = 6 : i64, tpu.core_type = #tpu.core_type<sc_vector_subcore>, window_params = [{transform_indices = #map}, {transform_indices = #map1}, {transform_indices = #map}, {transform_indices = #map2}]} {
    %mul3A = arith.constant 2 : i32
    %mul3A_0 = arith.muli %arg1, %mul3A : i32
    %add3A = arith.addi %mul3A_0, %arg0 : i32
    %mul3A_1 = arith.constant 632 : i32
    %mul3A_2 = arith.muli %arg1, %mul3A_1 : i32
    %multiple_of3A = tpu.assume_multiple %mul3A_2, 8 : i32
    "tpu.region"() ({
      %run_scoped3A = tpu.sem_alloc : memref<!tpu.dma_semaphore, #tpu.memory_space<semaphore_mem>>
      %dma_start3A = arith.constant 0 : i32
      %dma_start3A_9 = tpu.memref_slice %arg9[%multiple_of3A, %dma_start3A] : memref<10112x128xf32, #tpu.memory_space<vmem_shared>> -> memref<632x128xf32, #tpu.memory_space<vmem_shared>>
      %dma_start3A_10 = arith.constant 0 : i32
      %dma_start3A_11 = tpu.memref_slice %arg4[%multiple_of3A, %dma_start3A_10] : memref<10112x128xf32, #tpu.memory_space<hbm>> -> memref<632x128xf32, #tpu.memory_space<hbm>>
      tpu.enqueue_dma source(%dma_start3A_11 : memref<632x128xf32, #tpu.memory_space<hbm>>) target(%dma_start3A_9 : memref<632x128xf32, #tpu.memory_space<vmem_shared>>) target_semaphore(%run_scoped3A : memref<!tpu.dma_semaphore, #tpu.memory_space<semaphore_mem>>)
      %dma_wait3A = arith.constant 0 : i32
      %dma_wait3A_12 = tpu.memref_slice %arg9[%multiple_of3A, %dma_wait3A] : memref<10112x128xf32, #tpu.memory_space<vmem_shared>> -> memref<632x128xf32, #tpu.memory_space<vmem_shared>>
      %dma_wait3A_13 = arith.constant 0 : i32
      %dma_wait3A_14 = tpu.memref_slice %arg4[%multiple_of3A, %dma_wait3A_13] : memref<10112x128xf32, #tpu.memory_space<hbm>> -> memref<632x128xf32, #tpu.memory_space<hbm>>
      tpu.wait_dma2 semaphore(%run_scoped3A : memref<!tpu.dma_semaphore, #tpu.memory_space<semaphore_mem>>) src(%dma_wait3A_14 : memref<632x128xf32, #tpu.memory_space<hbm>>) dst(%dma_wait3A_12 : memref<632x128xf32, #tpu.memory_space<vmem_shared>>)
      tpu.yield
    }) : () -> ()
    %barrier3A = arith.constant 0 : index
    tpu.barrier barrier_id(%barrier3A)
    %scan3A = arith.constant 0 : i32
    %scan3A_3 = arith.constant 0 : i32
    %scan3A_4 = arith.constant 2 : i32
    %scan3A_5 = arith.addi %scan3A_3, %scan3A_4 : i32
    %scan3A_6 = arith.constant 1 : i32
    scf.for %scan3A_9 = %scan3A_3 to %scan3A_5 step %scan3A_6  : i32 {
      "tpu.region"() ({
        %run_scoped3A_49 = tpu.sem_alloc : memref<!tpu.dma_semaphore, #tpu.memory_space<semaphore_mem>>
        %dma_start3A_50 = arith.constant 0 : i32
        %dma_start3A_51 = arith.constant 0 : i32
        %dma_start3A_52 = arith.constant 0 : i32
        %dma_start3A_53 = tpu.memref_slice %arg3[%add3A, %scan3A_9, %dma_start3A_50, %dma_start3A_51, %dma_start3A_52] : memref<32x2x2x40x128xi32, #tpu.memory_space<hbm>> -> memref<1x1x2x40x128xi32, #tpu.memory_space<hbm>>
        %dma_start3A_54 = tpu.memref_squeeze %dma_start3A_53 : memref<1x1x2x40x128xi32, #tpu.memory_space<hbm>> -> memref<2x40x128xi32, #tpu.memory_space<hbm>>
        %dma_start3A_55 = arith.constant 0 : i32
        %dma_start3A_56 = arith.constant 0 : i32
        %dma_start3A_57 = arith.constant 0 : i32
        %dma_start3A_58 = tpu.memref_slice %arg3[%add3A, %scan3A_9, %dma_start3A_55, %dma_start3A_56, %dma_start3A_57] : memref<32x2x2x40x128xi32, #tpu.memory_space<hbm>> -> memref<1x1x2x40x128xi32, #tpu.memory_space<hbm>>
        %dma_start3A_59 = tpu.memref_squeeze %dma_start3A_58 : memref<1x1x2x40x128xi32, #tpu.memory_space<hbm>> -> memref<2x40x128xi32, #tpu.memory_space<hbm>>
        tpu.enqueue_dma source(%dma_start3A_59 : memref<2x40x128xi32, #tpu.memory_space<hbm>>) target(%arg6 : memref<2x40x128xi32, #tpu.memory_space<vmem>>) target_semaphore(%run_scoped3A_49 : memref<!tpu.dma_semaphore, #tpu.memory_space<semaphore_mem>>)
        %dma_wait3A_60 = arith.constant 0 : i32
        %dma_wait3A_61 = arith.constant 0 : i32
        %dma_wait3A_62 = arith.constant 0 : i32
        %dma_wait3A_63 = tpu.memref_slice %arg3[%add3A, %scan3A_9, %dma_wait3A_60, %dma_wait3A_61, %dma_wait3A_62] : memref<32x2x2x40x128xi32, #tpu.memory_space<hbm>> -> memref<1x1x2x40x128xi32, #tpu.memory_space<hbm>>
        %dma_wait3A_64 = tpu.memref_squeeze %dma_wait3A_63 : memref<1x1x2x40x128xi32, #tpu.memory_space<hbm>> -> memref<2x40x128xi32, #tpu.memory_space<hbm>>
        %dma_wait3A_65 = arith.constant 0 : i32
        %dma_wait3A_66 = arith.constant 0 : i32
        %dma_wait3A_67 = arith.constant 0 : i32
        %dma_wait3A_68 = tpu.memref_slice %arg3[%add3A, %scan3A_9, %dma_wait3A_65, %dma_wait3A_66, %dma_wait3A_67] : memref<32x2x2x40x128xi32, #tpu.memory_space<hbm>> -> memref<1x1x2x40x128xi32, #tpu.memory_space<hbm>>
        %dma_wait3A_69 = tpu.memref_squeeze %dma_wait3A_68 : memref<1x1x2x40x128xi32, #tpu.memory_space<hbm>> -> memref<2x40x128xi32, #tpu.memory_space<hbm>>
        tpu.wait_dma2 semaphore(%run_scoped3A_49 : memref<!tpu.dma_semaphore, #tpu.memory_space<semaphore_mem>>) src(%dma_wait3A_69 : memref<2x40x128xi32, #tpu.memory_space<hbm>>) dst(%arg6 : memref<2x40x128xi32, #tpu.memory_space<vmem>>)
        tpu.yield
      }) : () -> ()
      %dma_start3A = arith.constant 0 : i32
      %dma_start3A_10 = arith.constant 0 : i32
      %dma_start3A_11 = arith.constant 0 : i32
      %dma_start3A_12 = tpu.memref_slice %arg6[%dma_start3A, %dma_start3A_10, %dma_start3A_11] : memref<2x40x128xi32, #tpu.memory_space<vmem>> -> memref<1x1x128xi32, #tpu.memory_space<vmem>>
      %dma_start3A_13 = tpu.memref_squeeze %dma_start3A_12 : memref<1x1x128xi32, #tpu.memory_space<vmem>> -> memref<128xi32, #tpu.memory_space<vmem>>
      %dma_start3A_14 = arith.constant 0 : i32
      %dma_start3A_15 = arith.constant 0 : i32
      %dma_start3A_16 = tpu.memref_slice %arg2[%dma_start3A_14, %dma_start3A_15] : memref<10112x128xf32, #tpu.memory_space<hbm>> -> memref<10112x128xf32, #tpu.memory_space<hbm>>
      tpu.enqueue_indirect_dma source(%dma_start3A_16 : memref<10112x128xf32, #tpu.memory_space<hbm>>) target(%arg7 : memref<128x128xf32, #tpu.memory_space<vmem>>) offsets(%dma_start3A_13 : memref<128xi32, #tpu.memory_space<vmem>>) semaphore(%arg10 : memref<!tpu.dma_semaphore, #tpu.memory_space<semaphore_mem>>)
      %dma_start3A_17 = arith.constant 0 : i32
      %dma_start3A_18 = arith.constant 1 : i32
      %dma_start3A_19 = arith.constant 0 : i32
      %dma_start3A_20 = tpu.memref_slice %arg6[%dma_start3A_17, %dma_start3A_18, %dma_start3A_19] : memref<2x40x128xi32, #tpu.memory_space<vmem>> -> memref<1x1x128xi32, #tpu.memory_space<vmem>>
      %dma_start3A_21 = tpu.memref_squeeze %dma_start3A_20 : memref<1x1x128xi32, #tpu.memory_space<vmem>> -> memref<128xi32, #tpu.memory_space<vmem>>
      %dma_start3A_22 = arith.constant 0 : i32
      %dma_start3A_23 = arith.constant 0 : i32
      %dma_start3A_24 = tpu.memref_slice %arg2[%dma_start3A_22, %dma_start3A_23] : memref<10112x128xf32, #tpu.memory_space<hbm>> -> memref<10112x128xf32, #tpu.memory_space<hbm>>
      tpu.enqueue_indirect_dma source(%dma_start3A_24 : memref<10112x128xf32, #tpu.memory_space<hbm>>) target(%arg8 : memref<128x128xf32, #tpu.memory_space<vmem>>) offsets(%dma_start3A_21 : memref<128xi32, #tpu.memory_space<vmem>>) semaphore(%arg11 : memref<!tpu.dma_semaphore, #tpu.memory_space<semaphore_mem>>)
      %scan3A_25 = arith.constant 0 : i32
      %scan3A_26 = arith.constant 0 : i32
      %scan3A_27 = arith.constant 19 : i32
      %scan3A_28 = arith.addi %scan3A_26, %scan3A_27 : i32
      %scan3A_29 = arith.constant 1 : i32
      scf.for %scan3A_49 = %scan3A_26 to %scan3A_28 step %scan3A_29  : i32 {
        %mul3A_50 = arith.constant 2 : i32
        %mul3A_51 = arith.muli %scan3A_49, %mul3A_50 : i32
        %dma_wait3A_52 = arith.constant 0 : i32
        %dma_wait3A_53 = arith.constant 0 : i32
        %dma_wait3A_54 = arith.constant 0 : i32
        %dma_wait3A_55 = tpu.memref_slice %arg6[%dma_wait3A_52, %dma_wait3A_53, %dma_wait3A_54] : memref<2x40x128xi32, #tpu.memory_space<vmem>> -> memref<1x1x128xi32, #tpu.memory_space<vmem>>
        %dma_wait3A_56 = tpu.memref_squeeze %dma_wait3A_55 : memref<1x1x128xi32, #tpu.memory_space<vmem>> -> memref<128xi32, #tpu.memory_space<vmem>>
        %dma_wait3A_57 = arith.constant 0 : i32
        %dma_wait3A_58 = arith.constant 0 : i32
        %dma_wait3A_59 = tpu.memref_slice %arg2[%dma_wait3A_57, %dma_wait3A_58] : memref<10112x128xf32, #tpu.memory_space<hbm>> -> memref<10112x128xf32, #tpu.memory_space<hbm>>
        tpu.wait_indirect_dma semaphore(%arg10 : memref<!tpu.dma_semaphore, #tpu.memory_space<semaphore_mem>>) src(%dma_wait3A_59 : memref<10112x128xf32, #tpu.memory_space<hbm>>) dst(%arg7 : memref<128x128xf32, #tpu.memory_space<vmem>>)
        %run_scoped3A_60 = arith.constant 1 : i32
        "tpu.region"() ({
          %run_scoped3A_90 = tpu.sem_alloc : memref<!tpu.dma_semaphore, #tpu.memory_space<semaphore_mem>>
          %dma_start3A_91 = arith.constant 0 : i32
          %dma_start3A_92 = tpu.memref_slice %arg6[%run_scoped3A_60, %mul3A_51, %dma_start3A_91] : memref<2x40x128xi32, #tpu.memory_space<vmem>> -> memref<1x1x128xi32, #tpu.memory_space<vmem>>
          %dma_start3A_93 = tpu.memref_squeeze %dma_start3A_92 : memref<1x1x128xi32, #tpu.memory_space<vmem>> -> memref<128xi32, #tpu.memory_space<vmem>>
          %dma_start3A_94 = arith.constant 0 : i32
          %dma_start3A_95 = arith.constant 0 : i32
          %dma_start3A_96 = tpu.memref_slice %arg9[%dma_start3A_94, %dma_start3A_95] : memref<10112x128xf32, #tpu.memory_space<vmem_shared>> -> memref<10112x128xf32, #tpu.memory_space<vmem_shared>>
          tpu.enqueue_indirect_dma source(%arg7 : memref<128x128xf32, #tpu.memory_space<vmem>>) target(%dma_start3A_96 : memref<10112x128xf32, #tpu.memory_space<vmem_shared>>) offsets(%dma_start3A_93 : memref<128xi32, #tpu.memory_space<vmem>>) semaphore(%run_scoped3A_90 : memref<!tpu.dma_semaphore, #tpu.memory_space<semaphore_mem>>) {add = true}
          %dma_wait3A_97 = arith.constant 0 : i32
          %dma_wait3A_98 = tpu.memref_slice %arg6[%run_scoped3A_60, %mul3A_51, %dma_wait3A_97] : memref<2x40x128xi32, #tpu.memory_space<vmem>> -> memref<1x1x128xi32, #tpu.memory_space<vmem>>
          %dma_wait3A_99 = tpu.memref_squeeze %dma_wait3A_98 : memref<1x1x128xi32, #tpu.memory_space<vmem>> -> memref<128xi32, #tpu.memory_space<vmem>>
          %dma_wait3A_100 = arith.constant 0 : i32
          %dma_wait3A_101 = arith.constant 0 : i32
          %dma_wait3A_102 = tpu.memref_slice %arg9[%dma_wait3A_100, %dma_wait3A_101] : memref<10112x128xf32, #tpu.memory_space<vmem_shared>> -> memref<10112x128xf32, #tpu.memory_space<vmem_shared>>
          tpu.wait_indirect_dma semaphore(%run_scoped3A_90 : memref<!tpu.dma_semaphore, #tpu.memory_space<semaphore_mem>>) src(%arg7 : memref<128x128xf32, #tpu.memory_space<vmem>>) dst(%dma_wait3A_102 : memref<10112x128xf32, #tpu.memory_space<vmem_shared>>)
          tpu.yield
        }) : () -> ()
        %add3A_61 = arith.constant 2 : i32
        %add3A_62 = arith.addi %mul3A_51, %add3A_61 : i32
        %dma_start3A_63 = arith.constant 0 : i32
        %dma_start3A_64 = arith.constant 0 : i32
        %dma_start3A_65 = tpu.memref_slice %arg6[%dma_start3A_63, %add3A_62, %dma_start3A_64] : memref<2x40x128xi32, #tpu.memory_space<vmem>> -> memref<1x1x128xi32, #tpu.memory_space<vmem>>
        %dma_start3A_66 = tpu.memref_squeeze %dma_start3A_65 : memref<1x1x128xi32, #tpu.memory_space<vmem>> -> memref<128xi32, #tpu.memory_space<vmem>>
        %dma_start3A_67 = arith.constant 0 : i32
        %dma_start3A_68 = arith.constant 0 : i32
        %dma_start3A_69 = tpu.memref_slice %arg2[%dma_start3A_67, %dma_start3A_68] : memref<10112x128xf32, #tpu.memory_space<hbm>> -> memref<10112x128xf32, #tpu.memory_space<hbm>>
        tpu.enqueue_indirect_dma source(%dma_start3A_69 : memref<10112x128xf32, #tpu.memory_space<hbm>>) target(%arg7 : memref<128x128xf32, #tpu.memory_space<vmem>>) offsets(%dma_start3A_66 : memref<128xi32, #tpu.memory_space<vmem>>) semaphore(%arg10 : memref<!tpu.dma_semaphore, #tpu.memory_space<semaphore_mem>>)
        %dma_wait3A_70 = arith.constant 0 : i32
        %dma_wait3A_71 = arith.constant 0 : i32
        %dma_wait3A_72 = arith.constant 0 : i32
        %dma_wait3A_73 = tpu.memref_slice %arg6[%dma_wait3A_70, %dma_wait3A_71, %dma_wait3A_72] : memref<2x40x128xi32, #tpu.memory_space<vmem>> -> memref<1x1x128xi32, #tpu.memory_space<vmem>>
        %dma_wait3A_74 = tpu.memref_squeeze %dma_wait3A_73 : memref<1x1x128xi32, #tpu.memory_space<vmem>> -> memref<128xi32, #tpu.memory_space<vmem>>
        %dma_wait3A_75 = arith.constant 0 : i32
        %dma_wait3A_76 = arith.constant 0 : i32
        %dma_wait3A_77 = tpu.memref_slice %arg2[%dma_wait3A_75, %dma_wait3A_76] : memref<10112x128xf32, #tpu.memory_space<hbm>> -> memref<10112x128xf32, #tpu.memory_space<hbm>>
        tpu.wait_indirect_dma semaphore(%arg11 : memref<!tpu.dma_semaphore, #tpu.memory_space<semaphore_mem>>) src(%dma_wait3A_77 : memref<10112x128xf32, #tpu.memory_space<hbm>>) dst(%arg8 : memref<128x128xf32, #tpu.memory_space<vmem>>)
        %add3A_78 = arith.constant 1 : i32
        %add3A_79 = arith.addi %mul3A_51, %add3A_78 : i32
        %run_scoped3A_80 = arith.constant 1 : i32
        "tpu.region"() ({
          %run_scoped3A_90 = tpu.sem_alloc : memref<!tpu.dma_semaphore, #tpu.memory_space<semaphore_mem>>
          %dma_start3A_91 = arith.constant 0 : i32
          %dma_start3A_92 = tpu.memref_slice %arg6[%run_scoped3A_80, %add3A_79, %dma_start3A_91] : memref<2x40x128xi32, #tpu.memory_space<vmem>> -> memref<1x1x128xi32, #tpu.memory_space<vmem>>
          %dma_start3A_93 = tpu.memref_squeeze %dma_start3A_92 : memref<1x1x128xi32, #tpu.memory_space<vmem>> -> memref<128xi32, #tpu.memory_space<vmem>>
          %dma_start3A_94 = arith.constant 0 : i32
          %dma_start3A_95 = arith.constant 0 : i32
          %dma_start3A_96 = tpu.memref_slice %arg9[%dma_start3A_94, %dma_start3A_95] : memref<10112x128xf32, #tpu.memory_space<vmem_shared>> -> memref<10112x128xf32, #tpu.memory_space<vmem_shared>>
          tpu.enqueue_indirect_dma source(%arg8 : memref<128x128xf32, #tpu.memory_space<vmem>>) target(%dma_start3A_96 : memref<10112x128xf32, #tpu.memory_space<vmem_shared>>) offsets(%dma_start3A_93 : memref<128xi32, #tpu.memory_space<vmem>>) semaphore(%run_scoped3A_90 : memref<!tpu.dma_semaphore, #tpu.memory_space<semaphore_mem>>) {add = true}
          %dma_wait3A_97 = arith.constant 0 : i32
          %dma_wait3A_98 = tpu.memref_slice %arg6[%run_scoped3A_80, %add3A_79, %dma_wait3A_97] : memref<2x40x128xi32, #tpu.memory_space<vmem>> -> memref<1x1x128xi32, #tpu.memory_space<vmem>>
          %dma_wait3A_99 = tpu.memref_squeeze %dma_wait3A_98 : memref<1x1x128xi32, #tpu.memory_space<vmem>> -> memref<128xi32, #tpu.memory_space<vmem>>
          %dma_wait3A_100 = arith.constant 0 : i32
          %dma_wait3A_101 = arith.constant 0 : i32
          %dma_wait3A_102 = tpu.memref_slice %arg9[%dma_wait3A_100, %dma_wait3A_101] : memref<10112x128xf32, #tpu.memory_space<vmem_shared>> -> memref<10112x128xf32, #tpu.memory_space<vmem_shared>>
          tpu.wait_indirect_dma semaphore(%run_scoped3A_90 : memref<!tpu.dma_semaphore, #tpu.memory_space<semaphore_mem>>) src(%arg8 : memref<128x128xf32, #tpu.memory_space<vmem>>) dst(%dma_wait3A_102 : memref<10112x128xf32, #tpu.memory_space<vmem_shared>>)
          tpu.yield
        }) : () -> ()
        %add3A_81 = arith.constant 3 : i32
        %add3A_82 = arith.addi %mul3A_51, %add3A_81 : i32
        %dma_start3A_83 = arith.constant 0 : i32
        %dma_start3A_84 = arith.constant 0 : i32
        %dma_start3A_85 = tpu.memref_slice %arg6[%dma_start3A_83, %add3A_82, %dma_start3A_84] : memref<2x40x128xi32, #tpu.memory_space<vmem>> -> memref<1x1x128xi32, #tpu.memory_space<vmem>>
        %dma_start3A_86 = tpu.memref_squeeze %dma_start3A_85 : memref<1x1x128xi32, #tpu.memory_space<vmem>> -> memref<128xi32, #tpu.memory_space<vmem>>
        %dma_start3A_87 = arith.constant 0 : i32
        %dma_start3A_88 = arith.constant 0 : i32
        %dma_start3A_89 = tpu.memref_slice %arg2[%dma_start3A_87, %dma_start3A_88] : memref<10112x128xf32, #tpu.memory_space<hbm>> -> memref<10112x128xf32, #tpu.memory_space<hbm>>
        tpu.enqueue_indirect_dma source(%dma_start3A_89 : memref<10112x128xf32, #tpu.memory_space<hbm>>) target(%arg8 : memref<128x128xf32, #tpu.memory_space<vmem>>) offsets(%dma_start3A_86 : memref<128xi32, #tpu.memory_space<vmem>>) semaphore(%arg11 : memref<!tpu.dma_semaphore, #tpu.memory_space<semaphore_mem>>)
      }
      %scan3A_30 = arith.constant 19 : i32
      %dma_wait3A = arith.constant 0 : i32
      %dma_wait3A_31 = arith.constant 0 : i32
      %dma_wait3A_32 = arith.constant 0 : i32
      %dma_wait3A_33 = tpu.memref_slice %arg6[%dma_wait3A, %dma_wait3A_31, %dma_wait3A_32] : memref<2x40x128xi32, #tpu.memory_space<vmem>> -> memref<1x1x128xi32, #tpu.memory_space<vmem>>
      %dma_wait3A_34 = tpu.memref_squeeze %dma_wait3A_33 : memref<1x1x128xi32, #tpu.memory_space<vmem>> -> memref<128xi32, #tpu.memory_space<vmem>>
      %dma_wait3A_35 = arith.constant 0 : i32
      %dma_wait3A_36 = arith.constant 0 : i32
      %dma_wait3A_37 = tpu.memref_slice %arg2[%dma_wait3A_35, %dma_wait3A_36] : memref<10112x128xf32, #tpu.memory_space<hbm>> -> memref<10112x128xf32, #tpu.memory_space<hbm>>
      tpu.wait_indirect_dma semaphore(%arg10 : memref<!tpu.dma_semaphore, #tpu.memory_space<semaphore_mem>>) src(%dma_wait3A_37 : memref<10112x128xf32, #tpu.memory_space<hbm>>) dst(%arg7 : memref<128x128xf32, #tpu.memory_space<vmem>>)
      %run_scoped3A = arith.constant 1 : i32
      %run_scoped3A_38 = arith.constant 38 : i32
      "tpu.region"() ({
        %run_scoped3A_49 = tpu.sem_alloc : memref<!tpu.dma_semaphore, #tpu.memory_space<semaphore_mem>>
        %dma_start3A_50 = arith.constant 0 : i32
        %dma_start3A_51 = tpu.memref_slice %arg6[%run_scoped3A, %run_scoped3A_38, %dma_start3A_50] : memref<2x40x128xi32, #tpu.memory_space<vmem>> -> memref<1x1x128xi32, #tpu.memory_space<vmem>>
        %dma_start3A_52 = tpu.memref_squeeze %dma_start3A_51 : memref<1x1x128xi32, #tpu.memory_space<vmem>> -> memref<128xi32, #tpu.memory_space<vmem>>
        %dma_start3A_53 = arith.constant 0 : i32
        %dma_start3A_54 = arith.constant 0 : i32
        %dma_start3A_55 = tpu.memref_slice %arg9[%dma_start3A_53, %dma_start3A_54] : memref<10112x128xf32, #tpu.memory_space<vmem_shared>> -> memref<10112x128xf32, #tpu.memory_space<vmem_shared>>
        tpu.enqueue_indirect_dma source(%arg7 : memref<128x128xf32, #tpu.memory_space<vmem>>) target(%dma_start3A_55 : memref<10112x128xf32, #tpu.memory_space<vmem_shared>>) offsets(%dma_start3A_52 : memref<128xi32, #tpu.memory_space<vmem>>) semaphore(%run_scoped3A_49 : memref<!tpu.dma_semaphore, #tpu.memory_space<semaphore_mem>>) {add = true}
        %dma_wait3A_56 = arith.constant 0 : i32
        %dma_wait3A_57 = tpu.memref_slice %arg6[%run_scoped3A, %run_scoped3A_38, %dma_wait3A_56] : memref<2x40x128xi32, #tpu.memory_space<vmem>> -> memref<1x1x128xi32, #tpu.memory_space<vmem>>
        %dma_wait3A_58 = tpu.memref_squeeze %dma_wait3A_57 : memref<1x1x128xi32, #tpu.memory_space<vmem>> -> memref<128xi32, #tpu.memory_space<vmem>>
        %dma_wait3A_59 = arith.constant 0 : i32
        %dma_wait3A_60 = arith.constant 0 : i32
        %dma_wait3A_61 = tpu.memref_slice %arg9[%dma_wait3A_59, %dma_wait3A_60] : memref<10112x128xf32, #tpu.memory_space<vmem_shared>> -> memref<10112x128xf32, #tpu.memory_space<vmem_shared>>
        tpu.wait_indirect_dma semaphore(%run_scoped3A_49 : memref<!tpu.dma_semaphore, #tpu.memory_space<semaphore_mem>>) src(%arg7 : memref<128x128xf32, #tpu.memory_space<vmem>>) dst(%dma_wait3A_61 : memref<10112x128xf32, #tpu.memory_space<vmem_shared>>)
        tpu.yield
      }) : () -> ()
      %dma_wait3A_39 = arith.constant 0 : i32
      %dma_wait3A_40 = arith.constant 0 : i32
      %dma_wait3A_41 = arith.constant 0 : i32
      %dma_wait3A_42 = tpu.memref_slice %arg6[%dma_wait3A_39, %dma_wait3A_40, %dma_wait3A_41] : memref<2x40x128xi32, #tpu.memory_space<vmem>> -> memref<1x1x128xi32, #tpu.memory_space<vmem>>
      %dma_wait3A_43 = tpu.memref_squeeze %dma_wait3A_42 : memref<1x1x128xi32, #tpu.memory_space<vmem>> -> memref<128xi32, #tpu.memory_space<vmem>>
      %dma_wait3A_44 = arith.constant 0 : i32
      %dma_wait3A_45 = arith.constant 0 : i32
      %dma_wait3A_46 = tpu.memref_slice %arg2[%dma_wait3A_44, %dma_wait3A_45] : memref<10112x128xf32, #tpu.memory_space<hbm>> -> memref<10112x128xf32, #tpu.memory_space<hbm>>
      tpu.wait_indirect_dma semaphore(%arg11 : memref<!tpu.dma_semaphore, #tpu.memory_space<semaphore_mem>>) src(%dma_wait3A_46 : memref<10112x128xf32, #tpu.memory_space<hbm>>) dst(%arg8 : memref<128x128xf32, #tpu.memory_space<vmem>>)
      %run_scoped3A_47 = arith.constant 1 : i32
      %run_scoped3A_48 = arith.constant 39 : i32
      "tpu.region"() ({
        %run_scoped3A_49 = tpu.sem_alloc : memref<!tpu.dma_semaphore, #tpu.memory_space<semaphore_mem>>
        %dma_start3A_50 = arith.constant 0 : i32
        %dma_start3A_51 = tpu.memref_slice %arg6[%run_scoped3A_47, %run_scoped3A_48, %dma_start3A_50] : memref<2x40x128xi32, #tpu.memory_space<vmem>> -> memref<1x1x128xi32, #tpu.memory_space<vmem>>
        %dma_start3A_52 = tpu.memref_squeeze %dma_start3A_51 : memref<1x1x128xi32, #tpu.memory_space<vmem>> -> memref<128xi32, #tpu.memory_space<vmem>>
        %dma_start3A_53 = arith.constant 0 : i32
        %dma_start3A_54 = arith.constant 0 : i32
        %dma_start3A_55 = tpu.memref_slice %arg9[%dma_start3A_53, %dma_start3A_54] : memref<10112x128xf32, #tpu.memory_space<vmem_shared>> -> memref<10112x128xf32, #tpu.memory_space<vmem_shared>>
        tpu.enqueue_indirect_dma source(%arg8 : memref<128x128xf32, #tpu.memory_space<vmem>>) target(%dma_start3A_55 : memref<10112x128xf32, #tpu.memory_space<vmem_shared>>) offsets(%dma_start3A_52 : memref<128xi32, #tpu.memory_space<vmem>>) semaphore(%run_scoped3A_49 : memref<!tpu.dma_semaphore, #tpu.memory_space<semaphore_mem>>) {add = true}
        %dma_wait3A_56 = arith.constant 0 : i32
        %dma_wait3A_57 = tpu.memref_slice %arg6[%run_scoped3A_47, %run_scoped3A_48, %dma_wait3A_56] : memref<2x40x128xi32, #tpu.memory_space<vmem>> -> memref<1x1x128xi32, #tpu.memory_space<vmem>>
        %dma_wait3A_58 = tpu.memref_squeeze %dma_wait3A_57 : memref<1x1x128xi32, #tpu.memory_space<vmem>> -> memref<128xi32, #tpu.memory_space<vmem>>
        %dma_wait3A_59 = arith.constant 0 : i32
        %dma_wait3A_60 = arith.constant 0 : i32
        %dma_wait3A_61 = tpu.memref_slice %arg9[%dma_wait3A_59, %dma_wait3A_60] : memref<10112x128xf32, #tpu.memory_space<vmem_shared>> -> memref<10112x128xf32, #tpu.memory_space<vmem_shared>>
        tpu.wait_indirect_dma semaphore(%run_scoped3A_49 : memref<!tpu.dma_semaphore, #tpu.memory_space<semaphore_mem>>) src(%arg8 : memref<128x128xf32, #tpu.memory_space<vmem>>) dst(%dma_wait3A_61 : memref<10112x128xf32, #tpu.memory_space<vmem_shared>>)
        tpu.yield
      }) : () -> ()
    }
    %scan3A_7 = arith.constant 2 : i32
    %barrier3A_8 = arith.constant 0 : index
    tpu.barrier barrier_id(%barrier3A_8)
    "tpu.region"() ({
      %run_scoped3A = tpu.sem_alloc : memref<!tpu.dma_semaphore, #tpu.memory_space<semaphore_mem>>
      %dma_start3A = arith.constant 0 : i32
      %dma_start3A_9 = tpu.memref_slice %arg5[%arg0, %multiple_of3A, %dma_start3A] : memref<2x10112x128xf32, #tpu.memory_space<hbm>> -> memref<1x632x128xf32, #tpu.memory_space<hbm>>
      %dma_start3A_10 = tpu.memref_squeeze %dma_start3A_9 : memref<1x632x128xf32, #tpu.memory_space<hbm>> -> memref<632x128xf32, #tpu.memory_space<hbm>>
      %dma_start3A_11 = arith.constant 0 : i32
      %dma_start3A_12 = tpu.memref_slice %arg9[%multiple_of3A, %dma_start3A_11] : memref<10112x128xf32, #tpu.memory_space<vmem_shared>> -> memref<632x128xf32, #tpu.memory_space<vmem_shared>>
      tpu.enqueue_dma source(%dma_start3A_12 : memref<632x128xf32, #tpu.memory_space<vmem_shared>>) target(%dma_start3A_10 : memref<632x128xf32, #tpu.memory_space<hbm>>) target_semaphore(%run_scoped3A : memref<!tpu.dma_semaphore, #tpu.memory_space<semaphore_mem>>)
      %dma_wait3A = arith.constant 0 : i32
      %dma_wait3A_13 = tpu.memref_slice %arg5[%arg0, %multiple_of3A, %dma_wait3A] : memref<2x10112x128xf32, #tpu.memory_space<hbm>> -> memref<1x632x128xf32, #tpu.memory_space<hbm>>
      %dma_wait3A_14 = tpu.memref_squeeze %dma_wait3A_13 : memref<1x632x128xf32, #tpu.memory_space<hbm>> -> memref<632x128xf32, #tpu.memory_space<hbm>>
      %dma_wait3A_15 = arith.constant 0 : i32
      %dma_wait3A_16 = tpu.memref_slice %arg9[%multiple_of3A, %dma_wait3A_15] : memref<10112x128xf32, #tpu.memory_space<vmem_shared>> -> memref<632x128xf32, #tpu.memory_space<vmem_shared>>
      tpu.wait_dma2 semaphore(%run_scoped3A : memref<!tpu.dma_semaphore, #tpu.memory_space<semaphore_mem>>) src(%dma_wait3A_16 : memref<632x128xf32, #tpu.memory_space<vmem_shared>>) dst(%dma_wait3A_14 : memref<632x128xf32, #tpu.memory_space<hbm>>)
      tpu.yield
    }) : () -> ()
    return
  }
}

module attributes {stable_mosaic.version = 14 : i64} {
  func.func @_mm_body(%arg0: i32, %arg1: memref<10112x128xf32, #tpu.memory_space<vmem>>, %arg2: memref<128x128xf32, #tpu.memory_space<vmem>>, %arg3: memref<10112x128xf32, #tpu.memory_space<vmem>>) attributes {dimension_semantics = [#tpu.dimension_semantics<arbitrary>], iteration_bounds = array<i64: 1>, scalar_prefetch = 0 : i64, scratch_operands = 0 : i64, tpu.core_type = #tpu.core_type<tc>, window_params = [{transform_indices = @transform_0, window_bounds = array<i64: 10112, 128>}, {pipeline_mode = #tpu.pipeline_mode<synchronous>, transform_indices = @transform_1, window_bounds = array<i64: 128, 128>}, {transform_indices = @transform_2, window_bounds = array<i64: 10112, 128>}]} {
    %get3A = arith.constant 0 : index
    %get3A_0 = arith.constant 0 : index
    %get3A_1 = vector.load %arg1[%get3A, %get3A_0] : memref<10112x128xf32, #tpu.memory_space<vmem>>, vector<10112x128xf32>
    %get3A_2 = arith.constant 0 : index
    %get3A_3 = arith.constant 0 : index
    %get3A_4 = vector.load %arg2[%get3A_2, %get3A_3] : memref<128x128xf32, #tpu.memory_space<vmem>>, vector<128x128xf32>
    %dot_general3A = arith.constant dense<0.000000e+00> : vector<10112x128xf32>
    %dot_general3A_5 = tpu.matmul %get3A_1, %get3A_4, %dot_general3A {dimension_numbers = #tpu.dot_dimension_numbers<[1], [0], [0], [1], [0, 0, 1, 1], [], []>, transpose_lhs_hint = false} : vector<10112x128xf32>, vector<128x128xf32>, vector<10112x128xf32> -> vector<10112x128xf32>
    %swap3A = arith.constant 0 : index
    %swap3A_6 = arith.constant 0 : index
    %swap3A_7 = vector.load %arg3[%swap3A, %swap3A_6] : memref<10112x128xf32, #tpu.memory_space<vmem>>, vector<10112x128xf32>
    tpu.vector_store %arg3[%swap3A, %swap3A_6], %dot_general3A_5 {strides = array<i32>} : memref<10112x128xf32, #tpu.memory_space<vmem>>, vector<10112x128xf32>,
    return
  }
  func.func @transform_0(%arg0: i32) -> (i32, i32) {
    %c0_i32 = arith.constant 0 : i32
    %c0_i32_0 = arith.constant 0 : i32
    return %arg0, %c0_i32 : i32, i32
  }
  func.func @transform_1(%arg0: i32) -> (i32, i32) {
    %c0_i32 = arith.constant 0 : i32
    %c0_i32_0 = arith.constant 0 : i32
    %c0_i32_1 = arith.constant 0 : i32
    return %c0_i32, %c0_i32_0 : i32, i32
  }
  func.func @transform_2(%arg0: i32) -> (i32, i32) {
    %c0_i32 = arith.constant 0 : i32
    %c0_i32_0 = arith.constant 0 : i32
    return %arg0, %c0_i32 : i32, i32
  }
}

module attributes {stable_mosaic.version = 14 : i64} {
  func.func @_relu_mm_body(%arg0: i32, %arg1: memref<2x10112x128xf32, #tpu.memory_space<vmem>>, %arg2: memref<128x128xf32, #tpu.memory_space<vmem>>, %arg3: memref<10112x128xf32, #tpu.memory_space<vmem>>) attributes {dimension_semantics = [#tpu.dimension_semantics<arbitrary>], iteration_bounds = array<i64: 1>, scalar_prefetch = 0 : i64, scratch_operands = 0 : i64, tpu.core_type = #tpu.core_type<tc>, window_params = [{transform_indices = @transform_0, window_bounds = array<i64: 2, 10112, 128>}, {pipeline_mode = #tpu.pipeline_mode<synchronous>, transform_indices = @transform_1, window_bounds = array<i64: 128, 128>}, {transform_indices = @transform_2, window_bounds = array<i64: 10112, 128>}]} {
    %get3A = arith.constant 0 : index
    %get3A_0 = arith.constant 0 : index
    %get3A_1 = arith.constant 0 : index
    %get3A_2 = vector.load %arg1[%get3A, %get3A_0, %get3A_1] : memref<2x10112x128xf32, #tpu.memory_space<vmem>>, vector<1x10112x128xf32>
    %get3A_3 = vector.shape_cast %get3A_2 : vector<1x10112x128xf32> to vector<10112x128xf32>
    %get3A_4 = arith.constant 1 : index
    %get3A_5 = arith.constant 0 : index
    %get3A_6 = arith.constant 0 : index
    %get3A_7 = vector.load %arg1[%get3A_4, %get3A_5, %get3A_6] : memref<2x10112x128xf32, #tpu.memory_space<vmem>>, vector<1x10112x128xf32>
    %get3A_8 = vector.shape_cast %get3A_7 : vector<1x10112x128xf32> to vector<10112x128xf32>
    %add3A = arith.addf %get3A_3, %get3A_8 : vector<10112x128xf32>
    %max3A = arith.constant 0.000000e+00 : f32
    %max3A_9 = vector.broadcast %max3A : f32 to vector<10112x128xf32>
    %max3A_10 = arith.maximumf %add3A, %max3A_9 : vector<10112x128xf32>
    %get3A_11 = arith.constant 0 : index
    %get3A_12 = arith.constant 0 : index
    %get3A_13 = vector.load %arg2[%get3A_11, %get3A_12] : memref<128x128xf32, #tpu.memory_space<vmem>>, vector<128x128xf32>
    %dot_general3A = arith.constant dense<0.000000e+00> : vector<10112x128xf32>
    %dot_general3A_14 = tpu.matmul %max3A_10, %get3A_13, %dot_general3A {dimension_numbers = #tpu.dot_dimension_numbers<[1], [0], [0], [1], [0, 0, 1, 1], [], []>, transpose_lhs_hint = false} : vector<10112x128xf32>, vector<128x128xf32>, vector<10112x128xf32> -> vector<10112x128xf32>
    %swap3A = arith.constant 0 : index
    %swap3A_15 = arith.constant 0 : index
    %swap3A_16 = vector.load %arg3[%swap3A, %swap3A_15] : memref<10112x128xf32, #tpu.memory_space<vmem>>, vector<10112x128xf32>
    tpu.vector_store %arg3[%swap3A, %swap3A_15], %dot_general3A_14 {strides = array<i32>} : memref<10112x128xf32, #tpu.memory_space<vmem>>, vector<10112x128xf32>,
    return
  }
  func.func @transform_0(%arg0: i32) -> (i32, i32, i32) {
    %c0_i32 = arith.constant 0 : i32
    %c0_i32_0 = arith.constant 0 : i32
    %c0_i32_1 = arith.constant 0 : i32
    return %c0_i32, %arg0, %c0_i32_0 : i32, i32, i32
  }
  func.func @transform_1(%arg0: i32) -> (i32, i32) {
    %c0_i32 = arith.constant 0 : i32
    %c0_i32_0 = arith.constant 0 : i32
    %c0_i32_1 = arith.constant 0 : i32
    return %c0_i32, %c0_i32_0 : i32, i32
  }
  func.func @transform_2(%arg0: i32) -> (i32, i32) {
    %c0_i32 = arith.constant 0 : i32
    %c0_i32_0 = arith.constant 0 : i32
    return %arg0, %c0_i32 : i32, i32
  }
}

module attributes {stable_mosaic.version = 14 : i64} {
  func.func @_readout_body(%arg0: i32, %arg1: memref<2x10112x128xf32, #tpu.memory_space<vmem>>, %arg2: memref<1x128xf32, #tpu.memory_space<vmem>>) attributes {dimension_semantics = [#tpu.dimension_semantics<arbitrary>], iteration_bounds = array<i64: 1>, scalar_prefetch = 0 : i64, scratch_operands = 0 : i64, tpu.core_type = #tpu.core_type<tc>, window_params = [{transform_indices = @transform_0, window_bounds = array<i64: 2, 10112, 128>}, {pipeline_mode = #tpu.pipeline_mode<synchronous>, transform_indices = @transform_1, window_bounds = array<i64: 1, 128>}]} {
    %get3A = arith.constant 0 : index
    %get3A_0 = arith.constant 0 : index
    %get3A_1 = arith.constant 0 : index
    %get3A_2 = vector.load %arg1[%get3A, %get3A_0, %get3A_1] : memref<2x10112x128xf32, #tpu.memory_space<vmem>>, vector<1x10112x128xf32>
    %get3A_3 = vector.shape_cast %get3A_2 : vector<1x10112x128xf32> to vector<10112x128xf32>
    %get3A_4 = arith.constant 1 : index
    %get3A_5 = arith.constant 0 : index
    %get3A_6 = arith.constant 0 : index
    %get3A_7 = vector.load %arg1[%get3A_4, %get3A_5, %get3A_6] : memref<2x10112x128xf32, #tpu.memory_space<vmem>>, vector<1x10112x128xf32>
    %get3A_8 = vector.shape_cast %get3A_7 : vector<1x10112x128xf32> to vector<10112x128xf32>
    %add3A = arith.addf %get3A_3, %get3A_8 : vector<10112x128xf32>
    %max3A = arith.constant 0.000000e+00 : f32
    %max3A_9 = vector.broadcast %max3A : f32 to vector<10112x128xf32>
    %max3A_10 = arith.maximumf %add3A, %max3A_9 : vector<10112x128xf32>
    %reduce_sum3A = arith.constant dense<0.000000e+00> : vector<128xf32>
    %reduce_sum3A_11 = vector.multi_reduction <add>, %max3A_10, %reduce_sum3A [0] : vector<10112x128xf32> to vector<128xf32>
    %broadcast_in_dim3A = vector.shape_cast %reduce_sum3A_11 : vector<128xf32> to vector<1x128xf32>
    %eq3A = arith.constant 0 : i32
    %eq3A_12 = arith.cmpi eq, %arg0, %eq3A : i32
    %convert_element_type3A = arith.extui %eq3A_12 : i1 to i32
    %cond3A = arith.constant 0 : i32
    %cond3A_13 = arith.cmpi ne, %convert_element_type3A, %cond3A : i32
    scf.if %cond3A_13 {
      %swap3A = arith.constant 0 : index
      %swap3A_18 = arith.constant 0 : index
      %swap3A_19 = vector.load %arg2[%swap3A, %swap3A_18] : memref<1x128xf32, #tpu.memory_space<vmem>>, vector<1x128xf32>
      tpu.vector_store %arg2[%swap3A, %swap3A_18], %broadcast_in_dim3A {strides = array<i32>} : memref<1x128xf32, #tpu.memory_space<vmem>>, vector<1x128xf32>,
    } else {
    }
    %gt3A = arith.constant 0 : i32
    %gt3A_14 = arith.cmpi sgt, %arg0, %gt3A : i32
    %convert_element_type3A_15 = arith.extui %gt3A_14 : i1 to i32
    %cond3A_16 = arith.constant 0 : i32
    %cond3A_17 = arith.cmpi ne, %convert_element_type3A_15, %cond3A_16 : i32
    scf.if %cond3A_17 {
      %get3A_18 = arith.constant 0 : index
      %get3A_19 = arith.constant 0 : index
      %get3A_20 = vector.load %arg2[%get3A_18, %get3A_19] : memref<1x128xf32, #tpu.memory_space<vmem>>, vector<1x128xf32>
      %add3A_21 = arith.addf %get3A_20, %broadcast_in_dim3A : vector<1x128xf32>
      %swap3A = arith.constant 0 : index
      %swap3A_22 = arith.constant 0 : index
      %swap3A_23 = vector.load %arg2[%swap3A, %swap3A_22] : memref<1x128xf32, #tpu.memory_space<vmem>>, vector<1x128xf32>
      tpu.vector_store %arg2[%swap3A, %swap3A_22], %add3A_21 {strides = array<i32>} : memref<1x128xf32, #tpu.memory_space<vmem>>, vector<1x128xf32>,
    } else {
    }
    return
  }
  func.func @transform_0(%arg0: i32) -> (i32, i32, i32) {
    %c0_i32 = arith.constant 0 : i32
    %c0_i32_0 = arith.constant 0 : i32
    %c0_i32_1 = arith.constant 0 : i32
    return %c0_i32, %arg0, %c0_i32_0 : i32, i32, i32
  }
  func.func @transform_1(%arg0: i32) -> (i32, i32) {
    %c0_i32 = arith.constant 0 : i32
    %c0_i32_0 = arith.constant 0 : i32
    %c0_i32_1 = arith.constant 0 : i32
    return %c0_i32, %c0_i32_0 : i32, i32
  }
}

</mosaic_0001>

<sc_bundles>
// kernel: kernel.10.cloned.1.call-start
scs
__scs_entry_jumppad:
0x0: {  	(pc) =	sbr.rel $0x88, $3  }
0x1: {  	(tag) =	ssettag $0x0;
	lr =	simm.s32 $0x1  }
0x2: {  	[smem:$0x3F9D] =	sst lr;
	_ =	strace $0xD0000000  }
0x3: {  	_ = 	snop  }
0x4: {  	_ = 	snop  }
0x5: {  	_ = 	snop  }
0x6: {  	_ = 	snop  }
0x7: {  	_ = 	snop  }
__scs_overlays_trampoline_lowered:
0x8: {  	[smem:$0x3FAC] =	sst s0  }
0x9: {  	[smem:$0x3FAD] =	sst s1  }
0xa: {  	[smem:$0x3FAE] =	sst s2  }
0xb: {  	[smem:$0x3FAF] =	sst s3  }
0xc: {  	[smem:$0x3FB0] =	sst s4  }
0xd: {  	[smem:$0x3FB1] =	sst s5  }
0xe: {  	[smem:$0x3FB2] =	sst s6  }
0xf: {  	[smem:$0x3FB3] =	sst s7  }
0x10: {  	[smem:$0x3FB4] =	sst s8  }
0x11: {  	[smem:$0x3FB5] =	sst s9;
	s0 =	simm.s32 @!p0 $0x0  }
0x12: {  	s1 =	sld [smem:$0x3F9B];
	s0 =	simm.s32 @p0 $0x1  }
0x13: {  	[smem:$0x3FB6] =	sst s0;
	s0 =	simm.s32 @!p1 $0x0  }
0x14: {  	s2 =	sld [smem:$0x3F9A];
	s0 =	simm.s32 @p1 $0x1  }
0x15: {  	[smem:$0x3FB7] =	sst s0;
	s0 =	simm.s32 @!p2 $0x0  }
0x16: {  	s3 =	sld [smem:$0x3FDB];
	s0 =	simm.s32 @p2 $0x1  }
0x17: {  	s4 =	simm.s32 $0x1BF5;
	[smem:$0x3FB9] =	sst s0  }
0x18: {  	s0 =	sld [smem:$0x3F9C];
	_ =	swait.ge [sflag:s4], $0x0  }
0x19: {  	s7 =	sld [smem:$0x3F9D]  }
0x1a: {  	s8 =	sadd.s32 $0xFFFFE003, lr  }
0x1b: {  	s9 =	sadd.s32 $0xFFFFFEF7, lr;
	s5 =	simm.s32 $0xFFFFFFFF;
	p2 =	slt.u32 s8, $0xFFFFF086  }
0x1c: {  	p1 =	slt.u32 s9, $0xF7A;
	s5 =	simm.s32 @!p2 $0x0  }
0x1d: {  	s5 =	simm.s32 @p1 $0x1;
	p0 =	seq.s32 s7, s2  }
0x1e: {  	s7 =	smul.u32 @!p0 $0xF7A, s2;
	p2 =	seq.s32 @!p0 s5, $0x0  }
0x1f: {  	s9 =	smul.u32 $0xF7A, s1;
	s8 =	simm.s32 @!p0 $0x1BF5;
	p2 =	por !p2, p0  }
0x20: {  	[sflag:s8] =	ssyncset.s32 @!p0 $0xFFFFF086;
	s6 =	sadd.s32 @!p0 s3, s7;
	s7 =	simm.s32 @!p0 $0x108  }
0x21: {  	s3 =	sadd.s32 s3, s9;
	s6 =	sadd.s32 @!p0 $0x88, s6;
	s7 =	simm.s32 @p2 $0x1082  }
0x22: {  	[simem:s7], [sflag:s8] =	dma.local @!p0 [hbm:s6], $0xF7A  }
0x23: {  	s9 =	sor.u32 $0xD0000000, s2;
	s6 =	simm.s32 $0x108;
	_ =	swait.ge @!p0 [sflag:s8], $0x0  }
0x24: {  	s3 =	sadd.s32 $0x88, s3;
	s6 =	simm.s32 @!p1 $0x1082;
	[sflag:s4] =	ssyncset.s32 $0xFFFFF086  }
0x25: {  	[simem:s6], [sflag:s4] =	dma.local [hbm:s3], $0xF7A  }
0x26: {  	[smem:$0x3F9D] =	sst s1;
	(tag) =	ssettag s2;
	_ =	strace s9  }
0x27: {  	s1 =	sld [smem:$0x3FAD]  }
0x28: {  	s2 =	sld [smem:$0x3FAE]  }
0x29: {  	s4 =	sld [smem:$0x3FB0]  }
0x2a: {  	p0 =	seq.s32 s5, $0x0;
	s5 =	sld [smem:$0x3FB1]  }
0x2b: {  	s6 =	sld [smem:$0x3FB2]  }
0x2c: {  	s7 =	sld [smem:$0x3FB3]  }
0x2d: {  	s3 =	simm.s32 $0x108;
	s8 =	sld [smem:$0x3FB4]  }
0x2e: {  	s3 =	simm.s32 @!p0 $0x1082;
	s9 =	sld [smem:$0x3FB5]  }
0x2f: {  	lr =	sadd.s32 s0, s3;
	s0 =	sld [smem:$0x3FAC]  }
0x30: {  	s3 =	sld [smem:$0x3FAF]  }
0x31: {  	[smem:$0x3FB8] =	sst s10  }
0x32: {  	s10 =	sld [smem:$0x3FB6];
	_ =	sdelay $0x3  }
0x33: {  	p0 =	seq.s32 s10, $0x1;
	s10 =	sld [smem:$0x3FB8];
	_ =	sdelay $0x3  }
0x34: {  	[smem:$0x3FB8] =	sst s10  }
0x35: {  	s10 =	sld [smem:$0x3FB7];
	_ =	sdelay $0x3  }
0x36: {  	p1 =	seq.s32 s10, $0x1;
	s10 =	sld [smem:$0x3FB8];
	_ =	sdelay $0x3  }
0x37: {  	[smem:$0x3FB8] =	sst s10  }
0x38: {  	s10 =	sld [smem:$0x3FB9]  }
0x39: {  	_ = 	snop;
	(pc) =	sbr.ind lr, $3  }
0x3a: {  	_ = 	snop  }
0x3b: {  	_ = 	snop  }
0x3c: {  	p2 =	seq.s32 s10, $0x1;
	s10 =	sld [smem:$0x3FB8]  }
0x3d: {  	_ =	shalt  }
0x3e: {  	_ =	shalt  }
0x3f: {  	_ =	shalt  }
0x40: {  	_ =	shalt  }
0x41: {  	_ =	shalt  }
0x42: {  	_ =	shalt  }
0x43: {  	_ =	shalt  }
0x44: {  	_ =	shalt  }
0x45: {  	_ =	shalt  }
0x46: {  	_ =	shalt  }
0x47: {  	_ =	shalt  }
0x48: {  	_ =	shalt  }
0x49: {  	_ =	shalt  }
0x4a: {  	_ =	shalt  }
0x4b: {  	_ =	shalt  }
0x4c: {  	_ =	shalt  }
0x4d: {  	_ =	shalt  }
0x4e: {  	_ =	shalt  }
0x4f: {  	_ =	shalt  }
0x50: {  	_ =	shalt  }
0x51: {  	_ =	shalt  }
0x52: {  	_ =	shalt  }
0x53: {  	_ =	shalt  }
0x54: {  	_ =	shalt  }
0x55: {  	_ =	shalt  }
0x56: {  	_ =	shalt  }
0x57: {  	_ =	shalt  }
0x58: {  	_ =	shalt  }
0x59: {  	_ =	shalt  }
0x5a: {  	_ =	shalt  }
0x5b: {  	_ =	shalt  }
0x5c: {  	_ =	shalt  }
0x5d: {  	_ =	shalt  }
0x5e: {  	_ =	shalt  }
0x5f: {  	_ =	shalt  }
0x60: {  	_ =	shalt  }
0x61: {  	_ =	shalt  }
0x62: {  	_ =	shalt  }
0x63: {  	_ =	shalt  }
0x64: {  	_ =	shalt  }
0x65: {  	_ =	shalt  }
0x66: {  	_ =	shalt  }
0x67: {  	_ =	shalt  }
0x68: {  	_ =	shalt  }
0x69: {  	_ =	shalt  }
0x6a: {  	_ =	shalt  }
0x6b: {  	_ =	shalt  }
0x6c: {  	_ =	shalt  }
0x6d: {  	_ =	shalt  }
0x6e: {  	_ =	shalt  }
0x6f: {  	_ =	shalt  }
0x70: {  	_ =	shalt  }
0x71: {  	_ =	shalt  }
0x72: {  	_ =	shalt  }
0x73: {  	_ =	shalt  }
0x74: {  	_ =	shalt  }
0x75: {  	_ =	shalt  }
0x76: {  	_ =	shalt  }
0x77: {  	_ =	shalt  }
0x78: {  	_ =	shalt  }
0x79: {  	_ =	shalt  }
0x7a: {  	_ =	shalt  }
0x7b: {  	_ =	shalt  }
0x7c: {  	_ =	shalt  }
0x7d: {  	_ =	shalt  }
0x7e: {  	_ =	shalt  }
0x7f: {  	_ =	shalt  }
0x80: {  	_ =	shalt  }
0x81: {  	_ =	shalt  }
0x82: {  	_ =	shalt  }
0x83: {  	_ =	shalt  }
0x84: {  	_ =	shalt  }
0x85: {  	_ =	shalt  }
0x86: {  	_ =	shalt  }
0x87: {  	_ =	shalt  }
.Lfunc_end0:
.L_simem_size_0:
called_computation.1_lowered:
.L_overlay_start_0:
0x88: {  	s2 =	sld [smem:$0x3FD9]  }
0x89: {  	s3 =	sld [smem:$0x3FFE];
	_ =	sdelay $0x1  }
0x8a: {  	s1 =	srdreg.scid  }
0x8b: {  	s0 =	sand.u32 $0x1, s1  }
0x8c: {  	s16 =	sshll.u32 s0, $0xA;
	s2 =	sadd.s32 s3, s2  }
0x8d: {  	s2 =	sadd.s32 s2, s16  }
0x8e: {  	[smem:$0x3FC4] =	sst s2  }
0x8f: {  	_ = 	snop  }
0x90: {  	(tm) =	ssettm $0x1  }
0x91: {  	s17 =	sld [smem:$0x3FFB];
	_ =	sdelay $0x3  }
0x92: {  	_ =	strace s17  }
0x93: {  	s2 =	sld [smem:$0x3FFC];
	_ =	sdelay $0x3  }
0x94: {  	_ =	strace s2  }
0x95: {  	s2 =	sld [smem:$0x3FFD];
	_ =	sdelay $0x3  }
0x96: {  	_ =	strace s2  }
0x97: {  	_ =	strace $0x8FFFFFFF  }
0x98: {  	s18 =	sld [smem:$0x3FDB];
	_ =	sdelay $0x1  }
0x99: {  	s19 =	simm.s32 $_scs_section_size  }
0x9a: {  	s4 =	simm.s32 $_size__tile_overlayer_lowered;
	s5 =	simm.s32 $_tile_overlayer_lowered  }
0x9b: {  	s22 =	simm.s32 $0x1BFF;
	s21 =	sshll.u32 s5, $0x1;
	s2 =	sadd.s32 s19, s18  }
0x9c: {  	s6 =	simm.s32 $0x0;
	s20 =	sshll.u32 s4, $0x1;
	s4 =	sadd.s32 s21, s2  }
0x9d: {  	[timem:s6], [sflag:s22] =	dma.local [hbm:s4], s20  }
0x9e: {  	_ =	swait.ge [sflag:s22], s20  }
0x9f: {  	s3 =	ssub.s32 $0x0, s20;
	[sflag:s22] =	ssyncset.done $0x0  }
0xa0: {  	[sflag:s22] =	ssyncadd.s32 s3;
	_ =	sdelay $0x1  }
0xa1: {  	s23 =	simm.s32 $0x1B8B  }
0xa2: {  	_ =	swait.ge [sflag:s23], $0x1  }
0xa3: {  	[sflag:s23] =	ssyncset.done $0x0  }
0xa4: {  	s25 =	simm.s32 $0x1B8E;
	s24 =	sld [smem:$0x3FFE];
	[sflag:s23] =	ssyncadd.s32 $0xFFFFFFFF  }
0xa5: {  	s26 =	simm.s32 $execute0_lowered;
	[smem:$0x3FD2] =	sst s25  }
0xa6: {  	s4 =	sshll.u32 s26, $0x1;
	_ =	strace $0x80000049;
	[dreg:$0x1] =	wrdreg $0xFFFFFFFF  }
0xa7: {  	s28 =	simm.s32 $_size_execute0_lowered;
	s2 =	sadd.s32 s2, s4;
	[dreg:$0x0] =	wrdreg $0x0  }
0xa8: {  	s4 =	sshll.u32 s28, $0x1;
	[dreg:$0x2] =	wrdreg s2  }
0xa9: {  	[dreg:$0x3] =	wrdreg s4  }
0xaa: {  	[dreg:$0x4] =	wrdreg $0xC0  }
0xab: {  	_ =	task [dreg:s6], $0x5FFFF  }
0xac: {  	[dreg:$0x1] =	wrdreg $0xFFFFFFFF  }
0xad: {  	[dreg:$0x0] =	wrdreg $0x60  }
0xae: {  	[dreg:$0x2] =	wrdreg s24  }
0xaf: {  	[dreg:$0x3] =	wrdreg $0xA8000  }
0xb0: {  	[dreg:$0x4] =	wrdreg $0x9  }
0xb1: {  	_ =	task.clear_ibuf [dreg:s6], $0x5FFFF;
	_ =	strace $0x90000049  }
0xb2: {  	s29 =	simm.s32 $0x9;
	_ =	strace $0x8000004B  }
0xb3: {  	_ =	swait.ge [sflag:s29], $0x1  }
0xb4: {  	[sflag:s29] =	ssyncadd.s32 $0xFFFFFFFF  }
0xb5: {  	_ =	strace $0x9000004B  }
0xb6: {  	_ =	sfence  }
0xb7: {  	s30 =	sld [smem:$0x0];
	_ =	sdelay $0x2  }
0xb8: {  	s31 =	sshll.u32 s1, $0xD;
	s1 =	sshrl.u32 s1, $0x2  }
0xb9: {  	s3 =	sand.u32 $0x4000, s31;
	s1 =	sadd.s32 s1, s30  }
0xba: {  	s0 =	sor.u32 s3, s0;
	s1 =	sshll.u32 s1, $0x11  }
0xbb: {  	s0 =	sor.u32 s1, s0  }
0xbc: {  	s0 =	sadd.s32 $0x8F2B, s0  }
0xbd: {  	[sflag:s0] =	ssyncadd.remote.s32 $0x1  }
0xbe: {  	_ =	sfence.sel $0xFFFF  }
0xbf: {  	[dreg:$0x0] =	wrdreg $0xFFFFFFFF;
	(pc) =	sbr.abs _section_cstart, $3  }
0xc0: {  	[dreg:$0x1] =	wrdreg $0xFFFFFFFF  }
0xc1: {  	_ =	task.clear_ibuf [dreg:s6], $0x2FFFF;
	_ =	strace $0x9FFFFFFF  }
0xc2: {  	(tm) =	ssettm $0x7FFFFFFF  }
0xc3: {  	_ =	shalt  }
tec
execute0_lowered:
.L_overlay_start_1:
0x0: {  	(tag) =	ssettag $0x1  }
0x1: {  	s1 =	srdreg.scid  }
0x2: {  	s0 =	stileid.u32;
	s5 =	rddreg [dreg:$0x0]  }
0x3: {  	s2 =	rddreg [dreg:$0x1];
	s3 =	simm.s32 $0x0;
	s13 =	simm.s32 $0x80  }
0x4: {  	s14 =	simm.s32 $0x2800;
	s15 =	simm.s32 $0x6800;
	s16 =	simm.s32 $0x1  }
0x5: {  	s17 =	simm.s32 $0x2;
	s18 =	simm.s32 $0x2700;
	s19 =	simm.s32 $0x2780  }
0x6: {  	s20 =	simm.s32 $0x0;
	s6 =	sand.u32 $0x1, s1;
	s1 =	rddreg [dreg:$0x2]  }
0x7: {  	s26 =	sshll.u32 s0, $0x1;
	[smem:$0x7FF] =	sst s3;
	s7 =	smul.u32 $0x13C00, s0  }
0x8: {  	s29 =	smul.u32 $0x4F000, s0;
	s31 =	sshll.u32 s0, $0x6;
	s4 =	sor.u32 s6, s26  }
0x9: {  	_ =	strace $0x8000004A;
	s9 =	smul.u32 $0x13C000, s6;
	s6 =	ssub.s32 $0x2, s6  }
0xa: {  	s4 =	smul.u32 $0x5000, s4;
	s28 =	sshrl.u32 s7, $0x3;
	s11 =	sshrl.u32 s6, $0x1  }
0xb: {  	s30 =	sshrl.u32 s29, $0x2;
	s7 =	sadd.s32 s7, s9;
	s11 =	ssub.s32 s6, s11  }
0xc: {  	s12 =	sadd.s32 s30, s2;
	s6 =	sor.u32 $0x1C03, s31;
	s8 =	sshrl.u32 s4, $0x3  }
0xd: {  	s7 =	sshrl.u32 s7, $0x3;
	s10 =	sadd.s32 s8, s5;
	s8 =	sadd.s32 s28, s5  }
0xe: {  	s4 =	sadd.s32 $0x15600, s5;
	s7 =	sadd.s32 s7, s5;
	s5 =	sadd.s32 $0x3CE00, s8  }
0xf: {  	s7 =	sadd.s32 $0x64600, s7;
	s8 =	smax.u32 s11, $0x1;
	s9 =	sadd.s32 $0x1600, s10  }
0x10: {  	s10 =	sadd.s32 $0x1B00, s10;
	s11 =	sshrl.u32 s12, $0x3;
	s12 =	simm.s32 $0x3  }
.LBB2_1:
0x11: {  	[spmem:s11], [sflag:s6] =	dma.local [hbm:s5], $0x2780  }
0x12: {  	_ =	swait.ge [sflag:s12], $0x2780  }
0x13: {  	[sflag:s12] =	ssyncset.done $0x0  }
0x14: {  	[sflag:s12] =	ssyncadd.s32 $0xFFFFD880  }
0x15: {  	[bflag:$0x0] =	sbarrier.arrive $0xFFFF  }
0x16: {  	[tilespmem:s3], [sflag:$0x3] =	stream.linear.gather [hbm4b:s9+s3], $0x2800, $0x38;
	[tilespmem:$0x1E400] =	vst v63  }
0x17: {  	_ =	swait.ge [sflag:s12], $0x2800  }
0x18: {  	[sflag:s12] =	ssyncset.done $0x0  }
0x19: {  	[sflag:s12] =	ssyncadd.s32 $0xFFFFD800  }
0x1a: {  	[tilespmem:s14], [sflag:$0x1] =	stream.indirect.gather [hbm4b:s4+s13], $0x80, s3, s13, $0xb8;
	[tilespmem:$0x1E400] =	vst v63  }
0x1b: {  	_ = 	snop  }
0x1c: {  	[tilespmem:s15], [sflag:$0x2] =	stream.indirect.gather [hbm4b:s4+s13], $0x80, s13, s13, $0xb8;
	[tilespmem:$0x1E400] =	vst v63  }
0x1d: {  	_ =	swait.ge [sflag:s16], $0x4000  }
0x1e: {  	[sflag:s16] =	ssyncset.done $0x0  }
0x1f: {  	s21 =	simm.s32 $0x1400;
	[sflag:s16] =	ssyncadd.s32 $0xFFFFC000  }
0x20: {  	[spmem:s2] =	stream.indirect.scatter.add.f32 [tilespmem:s14], [sflag:$0x3], $0x80, s21, s13, $0xb8;
	[tilespmem:$0x1E400] =	vst v63  }
0x21: {  	_ =	swait.ge [sflag:s12], $0x4000  }
0x22: {  	[sflag:s12] =	ssyncset.done $0x0  }
0x23: {  	s30 =	simm.s32 $0x100;
	[sflag:s12] =	ssyncadd.s32 $0xFFFFC000  }
0x24: {  	[tilespmem:s14], [sflag:$0x1] =	stream.indirect.gather [hbm4b:s4+s13], $0x80, s30, s13, $0xb8;
	[tilespmem:$0x1E400] =	vst v63  }
0x25: {  	_ =	swait.ge [sflag:s17], $0x4000  }
0x26: {  	[sflag:s17] =	ssyncset.done $0x0  }
0x27: {  	s31 =	simm.s32 $0x1480;
	[sflag:s17] =	ssyncadd.s32 $0xFFFFC000  }
0x28: {  	[spmem:s2] =	stream.indirect.scatter.add.f32 [tilespmem:s15], [sflag:$0x3], $0x80, s31, s13, $0xb8;
	[tilespmem:$0x1E400] =	vst v63  }
0x29: {  	_ =	swait.ge [sflag:s12], $0x4000  }
0x2a: {  	[sflag:s12] =	ssyncset.done $0x0  }
0x2b: {  	s22 =	simm.s32 $0x180;
	s21 =	simm.s32 $0x800;
	[sflag:s12] =	ssyncadd.s32 $0xFFFFC000  }
.LBB2_2:
0x2c: {  	[tilespmem:s15], [sflag:$0x2] =	stream.indirect.gather [hbm4b:s4+s13], $0x80, s22, s13, $0xb8;
	[tilespmem:$0x1E400] =	vst v63  }
0x2d: {  	s22 =	smov.u32 s21  }
0x2e: {  	p0 =	sne.s32 s21, $0x4C00;
	s21 =	sadd.s32 $0x400, s21;
	_ =	swait.ge [sflag:s16], $0x4000  }
0x2f: {  	s22 =	sshra.s32 s22, $0x2;
	[sflag:s16] =	ssyncset.done $0x0  }
0x30: {  	s23 =	sadd.s32 $0x1300, s22;
	[sflag:s16] =	ssyncadd.s32 $0xFFFFC000  }
0x31: {  	[spmem:s2] =	stream.indirect.scatter.add.f32 [tilespmem:s14], [sflag:$0x3], $0x80, s23, s13, $0xb8;
	[tilespmem:$0x1E400] =	vst v63  }
0x32: {  	_ =	swait.ge [sflag:s12], $0x4000  }
0x33: {  	[sflag:s12] =	ssyncset.done $0x0  }
0x34: {  	[sflag:s12] =	ssyncadd.s32 $0xFFFFC000  }
0x35: {  	[tilespmem:s14], [sflag:$0x1] =	stream.indirect.gather [hbm4b:s4+s13], $0x80, s22, s13, $0xb8;
	[tilespmem:$0x1E400] =	vst v63  }
0x36: {  	_ =	swait.ge [sflag:s17], $0x4000  }
0x37: {  	[sflag:s17] =	ssyncset.done $0x0  }
.Ltmp0:
0x38: {  	s23 =	sadd.s32 $0x1380, s22;
	[sflag:s17] =	ssyncadd.s32 $0xFFFFC000;
	(pc) =	sbr.rel @p0 .LBB2_2-.Ltmp0, $4  }
0x39: {  	[spmem:s2] =	stream.indirect.scatter.add.f32 [tilespmem:s15], [sflag:$0x3], $0x80, s23, s13, $0xb8;
	[tilespmem:$0x1E400] =	vst v63  }
0x3a: {  	_ =	swait.ge [sflag:s12], $0x4000  }
0x3b: {  	[sflag:s12] =	ssyncset.done $0x0  }
0x3c: {  	s22 =	sadd.s32 $0x80, s22;
	[sflag:s12] =	ssyncadd.s32 $0xFFFFC000  }
0x3d: {  	[tilespmem:s15], [sflag:$0x2] =	stream.indirect.gather [hbm4b:s4+s13], $0x80, s22, s13, $0xb8;
	[tilespmem:$0x1E400] =	vst v63  }
0x3e: {  	_ =	swait.ge [sflag:s16], $0x4000  }
0x3f: {  	[sflag:s16] =	ssyncset.done $0x0  }
0x40: {  	[sflag:s16] =	ssyncadd.s32 $0xFFFFC000  }
0x41: {  	[spmem:s2] =	stream.indirect.scatter.add.f32 [tilespmem:s14], [sflag:$0x3], $0x80, s18, s13, $0xb8;
	[tilespmem:$0x1E400] =	vst v63  }
0x42: {  	_ =	swait.ge [sflag:s12], $0x4000  }
0x43: {  	[sflag:s12] =	ssyncset.done $0x0  }
0x44: {  	[sflag:s12] =	ssyncadd.s32 $0xFFFFC000  }
0x45: {  	_ =	swait.ge [sflag:s17], $0x4000  }
0x46: {  	[sflag:s17] =	ssyncset.done $0x0  }
0x47: {  	[sflag:s17] =	ssyncadd.s32 $0xFFFFC000  }
0x48: {  	[spmem:s2] =	stream.indirect.scatter.add.f32 [tilespmem:s15], [sflag:$0x3], $0x80, s19, s13, $0xb8;
	[tilespmem:$0x1E400] =	vst v63  }
0x49: {  	_ =	swait.ge [sflag:s12], $0x4000  }
0x4a: {  	[sflag:s12] =	ssyncset.done $0x0  }
0x4b: {  	[sflag:s12] =	ssyncadd.s32 $0xFFFFC000  }
0x4c: {  	[tilespmem:s3], [sflag:$0x3] =	stream.linear.gather [hbm4b:s10+s3], $0x2800, $0x38;
	[tilespmem:$0x1E400] =	vst v63  }
0x4d: {  	_ =	swait.ge [sflag:s12], $0x2800  }
0x4e: {  	[sflag:s12] =	ssyncset.done $0x0  }
0x4f: {  	[sflag:s12] =	ssyncadd.s32 $0xFFFFD800  }
0x50: {  	[tilespmem:s14], [sflag:$0x1] =	stream.indirect.gather [hbm4b:s4+s13], $0x80, s3, s13, $0xb8;
	[tilespmem:$0x1E400] =	vst v63  }
0x51: {  	_ = 	snop  }
0x52: {  	[tilespmem:s15], [sflag:$0x2] =	stream.indirect.gather [hbm4b:s4+s13], $0x80, s13, s13, $0xb8;
	[tilespmem:$0x1E400] =	vst v63  }
0x53: {  	_ =	swait.ge [sflag:s16], $0x4000  }
0x54: {  	[sflag:s16] =	ssyncset.done $0x0  }
0x55: {  	s21 =	simm.s32 $0x1400;
	[sflag:s16] =	ssyncadd.s32 $0xFFFFC000  }
0x56: {  	[spmem:s2] =	stream.indirect.scatter.add.f32 [tilespmem:s14], [sflag:$0x3], $0x80, s21, s13, $0xb8;
	[tilespmem:$0x1E400] =	vst v63  }
0x57: {  	_ =	swait.ge [sflag:s12], $0x4000  }
0x58: {  	[sflag:s12] =	ssyncset.done $0x0  }
0x59: {  	s30 =	simm.s32 $0x100;
	[sflag:s12] =	ssyncadd.s32 $0xFFFFC000  }
0x5a: {  	[tilespmem:s14], [sflag:$0x1] =	stream.indirect.gather [hbm4b:s4+s13], $0x80, s30, s13, $0xb8;
	[tilespmem:$0x1E400] =	vst v63  }
0x5b: {  	_ =	swait.ge [sflag:s17], $0x4000  }
0x5c: {  	[sflag:s17] =	ssyncset.done $0x0  }
0x5d: {  	s31 =	simm.s32 $0x1480;
	[sflag:s17] =	ssyncadd.s32 $0xFFFFC000  }
0x5e: {  	[spmem:s2] =	stream.indirect.scatter.add.f32 [tilespmem:s15], [sflag:$0x3], $0x80, s31, s13, $0xb8;
	[tilespmem:$0x1E400] =	vst v63  }
0x5f: {  	_ =	swait.ge [sflag:s12], $0x4000  }
0x60: {  	[sflag:s12] =	ssyncset.done $0x0  }
0x61: {  	s22 =	simm.s32 $0x180;
	s21 =	simm.s32 $0x800;
	[sflag:s12] =	ssyncadd.s32 $0xFFFFC000  }
.LBB2_4:
0x62: {  	[tilespmem:s15], [sflag:$0x2] =	stream.indirect.gather [hbm4b:s4+s13], $0x80, s22, s13, $0xb8;
	[tilespmem:$0x1E400] =	vst v63  }
0x63: {  	s22 =	smov.u32 s21  }
0x64: {  	p0 =	sne.s32 s21, $0x4C00;
	s21 =	sadd.s32 $0x400, s21;
	_ =	swait.ge [sflag:s16], $0x4000  }
0x65: {  	s22 =	sshra.s32 s22, $0x2;
	[sflag:s16] =	ssyncset.done $0x0  }
0x66: {  	s23 =	sadd.s32 $0x1300, s22;
	[sflag:s16] =	ssyncadd.s32 $0xFFFFC000  }
0x67: {  	[spmem:s2] =	stream.indirect.scatter.add.f32 [tilespmem:s14], [sflag:$0x3], $0x80, s23, s13, $0xb8;
	[tilespmem:$0x1E400] =	vst v63  }
0x68: {  	_ =	swait.ge [sflag:s12], $0x4000  }
0x69: {  	[sflag:s12] =	ssyncset.done $0x0  }
0x6a: {  	[sflag:s12] =	ssyncadd.s32 $0xFFFFC000  }
0x6b: {  	[tilespmem:s14], [sflag:$0x1] =	stream.indirect.gather [hbm4b:s4+s13], $0x80, s22, s13, $0xb8;
	[tilespmem:$0x1E400] =	vst v63  }
0x6c: {  	_ =	swait.ge [sflag:s17], $0x4000  }
0x6d: {  	[sflag:s17] =	ssyncset.done $0x0  }
.Ltmp1:
0x6e: {  	s23 =	sadd.s32 $0x1380, s22;
	[sflag:s17] =	ssyncadd.s32 $0xFFFFC000;
	(pc) =	sbr.rel @p0 .LBB2_4-.Ltmp1, $4  }
0x6f: {  	[spmem:s2] =	stream.indirect.scatter.add.f32 [tilespmem:s15], [sflag:$0x3], $0x80, s23, s13, $0xb8;
	[tilespmem:$0x1E400] =	vst v63  }
0x70: {  	_ =	swait.ge [sflag:s12], $0x4000  }
0x71: {  	[sflag:s12] =	ssyncset.done $0x0  }
0x72: {  	s22 =	sadd.s32 $0x80, s22;
	[sflag:s12] =	ssyncadd.s32 $0xFFFFC000  }
0x73: {  	[tilespmem:s15], [sflag:$0x2] =	stream.indirect.gather [hbm4b:s4+s13], $0x80, s22, s13, $0xb8;
	[tilespmem:$0x1E400] =	vst v63  }
0x74: {  	_ =	swait.ge [sflag:s16], $0x4000  }
0x75: {  	[sflag:s16] =	ssyncset.done $0x0  }
0x76: {  	[sflag:s16] =	ssyncadd.s32 $0xFFFFC000  }
0x77: {  	[spmem:s2] =	stream.indirect.scatter.add.f32 [tilespmem:s14], [sflag:$0x3], $0x80, s18, s13, $0xb8;
	[tilespmem:$0x1E400] =	vst v63  }
0x78: {  	_ =	swait.ge [sflag:s12], $0x4000  }
0x79: {  	[sflag:s12] =	ssyncset.done $0x0  }
0x7a: {  	[sflag:s12] =	ssyncadd.s32 $0xFFFFC000  }
0x7b: {  	_ =	swait.ge [sflag:s17], $0x4000  }
0x7c: {  	[sflag:s17] =	ssyncset.done $0x0  }
0x7d: {  	[sflag:s17] =	ssyncadd.s32 $0xFFFFC000  }
0x7e: {  	[spmem:s2] =	stream.indirect.scatter.add.f32 [tilespmem:s15], [sflag:$0x3], $0x80, s19, s13, $0xb8;
	[tilespmem:$0x1E400] =	vst v63  }
0x7f: {  	_ =	swait.ge [sflag:s12], $0x4000  }
0x80: {  	s20 =	sadd.s32 $0x1, s20;
	[sflag:s12] =	ssyncset.done $0x0  }
0x81: {  	p0 =	sne.s32 s20, s8;
	[sflag:s12] =	ssyncadd.s32 $0xFFFFC000  }
.Ltmp2:
0x82: {  	[bflag:$0x0] =	sbarrier.arrive $0xFFFF;
	(pc) =	sbr.rel @p0 .LBB2_1-.Ltmp2, $4  }
0x83: {  	[hbm:s7], [sflag:s6] =	dma.local [spmem:s11], $0x2780  }
0x84: {  	_ =	swait.ge [sflag:s12], $0x2780  }
0x85: {  	[sflag:s12] =	ssyncset.done $0x0  }
0x86: {  	[sflag:s12] =	ssyncadd.s32 $0xFFFFD880  }
0x87: {  	_ =	sfence.sel $0x180000  }
0x88: {  	[bflag:$0x0] =	sbarrier.arrive $0xFFFF  }
0x89: {  	p0 =	sne.s32 s0, $0x0;
	_ =	strace $0x9000004A  }
0x8a: {  	s0 =	sadd.s32 @!p0 $0x100000, s1;
	[bflag:$0x2] =	sbarrier.arrive $0xFFFF  }
0x8b: {  	[sflag:s0] =	ssyncadd.tile.s32 @!p0 $0x1;
	_ =	shalt  }
.Lfunc_end2:
_tile_overlayer_lowered:
.L_overlay_start_2:
0x8c: {  	(tag) =	ssettag $0x2  }
0x8d: {  	s0 =	rddreg [dreg:$0x0];
	s2 =	stileid.u32  }
0x8e: {  	s1 =	rddreg [dreg:$0x1];
	p0 =	sne.s32 s2, $0x0  }
0x8f: {  	s3 =	rddreg [dreg:$0x2];
	[bflag:$0x3] =	sbarrier.arrive $0xFFFF;
	s2 =	simm.s32 @!p0 $0x1C03  }
0x90: {  	[timem:s3], [sflag:s2] =	dma.local @!p0 [hbm:s0], s1  }
0x91: {  	s0 =	simm.s32 @!p0 $0x3  }
0x92: {  	_ =	swait.ge @!p0 [sflag:s0], s1  }
0x93: {  	s1 =	ssub.s32 @!p0 $0x0, s1;
	[sflag:s0] =	ssyncset.done @!p0 $0x0  }
0x94: {  	[sflag:s0] =	ssyncadd.s32 @!p0 s1  }
0x95: {  	[bflag:$0x3] =	sbarrier.arrive $0xFFFF  }
0x96: {  	_ =	shalt  }

// kernel: kernel.7.cloned.1.call-start
scs
__scs_entry_jumppad:
0x0: {  	(pc) =	sbr.rel $0x88, $3  }
0x1: {  	(tag) =	ssettag $0x0;
	lr =	simm.s32 $0x1  }
0x2: {  	[smem:$0x3F9D] =	sst lr;
	_ =	strace $0xD0000000  }
0x3: {  	_ = 	snop  }
0x4: {  	_ = 	snop  }
0x5: {  	_ = 	snop  }
0x6: {  	_ = 	snop  }
0x7: {  	_ = 	snop  }
__scs_overlays_trampoline_lowered:
0x8: {  	[smem:$0x3FAC] =	sst s0  }
0x9: {  	[smem:$0x3FAD] =	sst s1  }
0xa: {  	[smem:$0x3FAE] =	sst s2  }
0xb: {  	[smem:$0x3FAF] =	sst s3  }
0xc: {  	[smem:$0x3FB0] =	sst s4  }
0xd: {  	[smem:$0x3FB1] =	sst s5  }
0xe: {  	[smem:$0x3FB2] =	sst s6  }
0xf: {  	[smem:$0x3FB3] =	sst s7  }
0x10: {  	[smem:$0x3FB4] =	sst s8  }
0x11: {  	[smem:$0x3FB5] =	sst s9;
	s0 =	simm.s32 @!p0 $0x0  }
0x12: {  	s1 =	sld [smem:$0x3F9B];
	s0 =	simm.s32 @p0 $0x1  }
0x13: {  	[smem:$0x3FB6] =	sst s0;
	s0 =	simm.s32 @!p1 $0x0  }
0x14: {  	s2 =	sld [smem:$0x3F9A];
	s0 =	simm.s32 @p1 $0x1  }
0x15: {  	[smem:$0x3FB7] =	sst s0;
	s0 =	simm.s32 @!p2 $0x0  }
0x16: {  	s3 =	sld [smem:$0x3FDB];
	s0 =	simm.s32 @p2 $0x1  }
0x17: {  	s4 =	simm.s32 $0x1BF5;
	[smem:$0x3FB9] =	sst s0  }
0x18: {  	s0 =	sld [smem:$0x3F9C];
	_ =	swait.ge [sflag:s4], $0x0  }
0x19: {  	s7 =	sld [smem:$0x3F9D]  }
0x1a: {  	s8 =	sadd.s32 $0xFFFFE003, lr  }
0x1b: {  	s9 =	sadd.s32 $0xFFFFFEF7, lr;
	s5 =	simm.s32 $0xFFFFFFFF;
	p2 =	slt.u32 s8, $0xFFFFF086  }
0x1c: {  	p1 =	slt.u32 s9, $0xF7A;
	s5 =	simm.s32 @!p2 $0x0  }
0x1d: {  	s5 =	simm.s32 @p1 $0x1;
	p0 =	seq.s32 s7, s2  }
0x1e: {  	s7 =	smul.u32 @!p0 $0xF7A, s2;
	p2 =	seq.s32 @!p0 s5, $0x0  }
0x1f: {  	s9 =	smul.u32 $0xF7A, s1;
	s8 =	simm.s32 @!p0 $0x1BF5;
	p2 =	por !p2, p0  }
0x20: {  	[sflag:s8] =	ssyncset.s32 @!p0 $0xFFFFF086;
	s6 =	sadd.s32 @!p0 s3, s7;
	s7 =	simm.s32 @!p0 $0x108  }
0x21: {  	s3 =	sadd.s32 s3, s9;
	s6 =	sadd.s32 @!p0 $0x88, s6;
	s7 =	simm.s32 @p2 $0x1082  }
0x22: {  	[simem:s7], [sflag:s8] =	dma.local @!p0 [hbm:s6], $0xF7A  }
0x23: {  	s9 =	sor.u32 $0xD0000000, s2;
	s6 =	simm.s32 $0x108;
	_ =	swait.ge @!p0 [sflag:s8], $0x0  }
0x24: {  	s3 =	sadd.s32 $0x88, s3;
	s6 =	simm.s32 @!p1 $0x1082;
	[sflag:s4] =	ssyncset.s32 $0xFFFFF086  }
0x25: {  	[simem:s6], [sflag:s4] =	dma.local [hbm:s3], $0xF7A  }
0x26: {  	[smem:$0x3F9D] =	sst s1;
	(tag) =	ssettag s2;
	_ =	strace s9  }
0x27: {  	s1 =	sld [smem:$0x3FAD]  }
0x28: {  	s2 =	sld [smem:$0x3FAE]  }
0x29: {  	s4 =	sld [smem:$0x3FB0]  }
0x2a: {  	p0 =	seq.s32 s5, $0x0;
	s5 =	sld [smem:$0x3FB1]  }
0x2b: {  	s6 =	sld [smem:$0x3FB2]  }
0x2c: {  	s7 =	sld [smem:$0x3FB3]  }
0x2d: {  	s3 =	simm.s32 $0x108;
	s8 =	sld [smem:$0x3FB4]  }
0x2e: {  	s3 =	simm.s32 @!p0 $0x1082;
	s9 =	sld [smem:$0x3FB5]  }
0x2f: {  	lr =	sadd.s32 s0, s3;
	s0 =	sld [smem:$0x3FAC]  }
0x30: {  	s3 =	sld [smem:$0x3FAF]  }
0x31: {  	[smem:$0x3FB8] =	sst s10  }
0x32: {  	s10 =	sld [smem:$0x3FB6];
	_ =	sdelay $0x3  }
0x33: {  	p0 =	seq.s32 s10, $0x1;
	s10 =	sld [smem:$0x3FB8];
	_ =	sdelay $0x3  }
0x34: {  	[smem:$0x3FB8] =	sst s10  }
0x35: {  	s10 =	sld [smem:$0x3FB7];
	_ =	sdelay $0x3  }
0x36: {  	p1 =	seq.s32 s10, $0x1;
	s10 =	sld [smem:$0x3FB8];
	_ =	sdelay $0x3  }
0x37: {  	[smem:$0x3FB8] =	sst s10  }
0x38: {  	s10 =	sld [smem:$0x3FB9]  }
0x39: {  	_ = 	snop;
	(pc) =	sbr.ind lr, $3  }
0x3a: {  	_ = 	snop  }
0x3b: {  	_ = 	snop  }
0x3c: {  	p2 =	seq.s32 s10, $0x1;
	s10 =	sld [smem:$0x3FB8]  }
0x3d: {  	_ =	shalt  }
0x3e: {  	_ =	shalt  }
0x3f: {  	_ =	shalt  }
0x40: {  	_ =	shalt  }
0x41: {  	_ =	shalt  }
0x42: {  	_ =	shalt  }
0x43: {  	_ =	shalt  }
0x44: {  	_ =	shalt  }
0x45: {  	_ =	shalt  }
0x46: {  	_ =	shalt  }
0x47: {  	_ =	shalt  }
0x48: {  	_ =	shalt  }
0x49: {  	_ =	shalt  }
0x4a: {  	_ =	shalt  }
0x4b: {  	_ =	shalt  }
0x4c: {  	_ =	shalt  }
0x4d: {  	_ =	shalt  }
0x4e: {  	_ =	shalt  }
0x4f: {  	_ =	shalt  }
0x50: {  	_ =	shalt  }
0x51: {  	_ =	shalt  }
0x52: {  	_ =	shalt  }
0x53: {  	_ =	shalt  }
0x54: {  	_ =	shalt  }
0x55: {  	_ =	shalt  }
0x56: {  	_ =	shalt  }
0x57: {  	_ =	shalt  }
0x58: {  	_ =	shalt  }
0x59: {  	_ =	shalt  }
0x5a: {  	_ =	shalt  }
0x5b: {  	_ =	shalt  }
0x5c: {  	_ =	shalt  }
0x5d: {  	_ =	shalt  }
0x5e: {  	_ =	shalt  }
0x5f: {  	_ =	shalt  }
0x60: {  	_ =	shalt  }
0x61: {  	_ =	shalt  }
0x62: {  	_ =	shalt  }
0x63: {  	_ =	shalt  }
0x64: {  	_ =	shalt  }
0x65: {  	_ =	shalt  }
0x66: {  	_ =	shalt  }
0x67: {  	_ =	shalt  }
0x68: {  	_ =	shalt  }
0x69: {  	_ =	shalt  }
0x6a: {  	_ =	shalt  }
0x6b: {  	_ =	shalt  }
0x6c: {  	_ =	shalt  }
0x6d: {  	_ =	shalt  }
0x6e: {  	_ =	shalt  }
0x6f: {  	_ =	shalt  }
0x70: {  	_ =	shalt  }
0x71: {  	_ =	shalt  }
0x72: {  	_ =	shalt  }
0x73: {  	_ =	shalt  }
0x74: {  	_ =	shalt  }
0x75: {  	_ =	shalt  }
0x76: {  	_ =	shalt  }
0x77: {  	_ =	shalt  }
0x78: {  	_ =	shalt  }
0x79: {  	_ =	shalt  }
0x7a: {  	_ =	shalt  }
0x7b: {  	_ =	shalt  }
0x7c: {  	_ =	shalt  }
0x7d: {  	_ =	shalt  }
0x7e: {  	_ =	shalt  }
0x7f: {  	_ =	shalt  }
0x80: {  	_ =	shalt  }
0x81: {  	_ =	shalt  }
0x82: {  	_ =	shalt  }
0x83: {  	_ =	shalt  }
0x84: {  	_ =	shalt  }
0x85: {  	_ =	shalt  }
0x86: {  	_ =	shalt  }
0x87: {  	_ =	shalt  }
.Lfunc_end0:
.L_simem_size_0:
called_computation_lowered:
.L_overlay_start_0:
0x88: {  	s2 =	sld [smem:$0x3FD9]  }
0x89: {  	s3 =	sld [smem:$0x3FFE];
	_ =	sdelay $0x1  }
0x8a: {  	s1 =	srdreg.scid  }
0x8b: {  	s0 =	sand.u32 $0x1, s1  }
0x8c: {  	s16 =	sshll.u32 s0, $0xA;
	s2 =	sadd.s32 s3, s2  }
0x8d: {  	s2 =	sadd.s32 s2, s16  }
0x8e: {  	[smem:$0x3FC4] =	sst s2  }
0x8f: {  	_ = 	snop  }
0x90: {  	(tm) =	ssettm $0x1  }
0x91: {  	s17 =	sld [smem:$0x3FFB];
	_ =	sdelay $0x3  }
0x92: {  	_ =	strace s17  }
0x93: {  	s2 =	sld [smem:$0x3FFC];
	_ =	sdelay $0x3  }
0x94: {  	_ =	strace s2  }
0x95: {  	s2 =	sld [smem:$0x3FFD];
	_ =	sdelay $0x3  }
0x96: {  	_ =	strace s2  }
0x97: {  	_ =	strace $0x8FFFFFFF  }
0x98: {  	s18 =	sld [smem:$0x3FDB];
	_ =	sdelay $0x1  }
0x99: {  	s19 =	simm.s32 $_scs_section_size  }
0x9a: {  	s4 =	simm.s32 $_size__tile_overlayer_lowered;
	s5 =	simm.s32 $_tile_overlayer_lowered  }
0x9b: {  	s22 =	simm.s32 $0x1BFF;
	s21 =	sshll.u32 s5, $0x1;
	s2 =	sadd.s32 s19, s18  }
0x9c: {  	s6 =	simm.s32 $0x0;
	s20 =	sshll.u32 s4, $0x1;
	s4 =	sadd.s32 s21, s2  }
0x9d: {  	[timem:s6], [sflag:s22] =	dma.local [hbm:s4], s20  }
0x9e: {  	_ =	swait.ge [sflag:s22], s20  }
0x9f: {  	s3 =	ssub.s32 $0x0, s20;
	[sflag:s22] =	ssyncset.done $0x0  }
0xa0: {  	[sflag:s22] =	ssyncadd.s32 s3;
	_ =	sdelay $0x1  }
0xa1: {  	s23 =	simm.s32 $0x1B8B  }
0xa2: {  	_ =	swait.ge [sflag:s23], $0x1  }
0xa3: {  	[sflag:s23] =	ssyncset.done $0x0  }
0xa4: {  	s25 =	simm.s32 $0x1B8E;
	s24 =	sld [smem:$0x3FFE];
	[sflag:s23] =	ssyncadd.s32 $0xFFFFFFFF  }
0xa5: {  	s26 =	simm.s32 $execute0_lowered;
	[smem:$0x3FD2] =	sst s25  }
0xa6: {  	s4 =	sshll.u32 s26, $0x1;
	_ =	strace $0x80000046;
	[dreg:$0x1] =	wrdreg $0xFFFFFFFF  }
0xa7: {  	s28 =	simm.s32 $_size_execute0_lowered;
	s2 =	sadd.s32 s2, s4;
	[dreg:$0x0] =	wrdreg $0x0  }
0xa8: {  	s4 =	sshll.u32 s28, $0x1;
	[dreg:$0x2] =	wrdreg s2  }
0xa9: {  	[dreg:$0x3] =	wrdreg s4  }
0xaa: {  	[dreg:$0x4] =	wrdreg $0xC0  }
0xab: {  	_ =	task [dreg:s6], $0x5FFFF  }
0xac: {  	[dreg:$0x1] =	wrdreg $0xFFFFFFFF  }
0xad: {  	[dreg:$0x0] =	wrdreg $0x60  }
0xae: {  	[dreg:$0x2] =	wrdreg s24  }
0xaf: {  	[dreg:$0x3] =	wrdreg $0xA8000  }
0xb0: {  	[dreg:$0x4] =	wrdreg $0x9  }
0xb1: {  	_ =	task.clear_ibuf [dreg:s6], $0x5FFFF;
	_ =	strace $0x90000046  }
0xb2: {  	s29 =	simm.s32 $0x9;
	_ =	strace $0x80000048  }
0xb3: {  	_ =	swait.ge [sflag:s29], $0x1  }
0xb4: {  	[sflag:s29] =	ssyncadd.s32 $0xFFFFFFFF  }
0xb5: {  	_ =	strace $0x90000048  }
0xb6: {  	_ =	sfence  }
0xb7: {  	s30 =	sld [smem:$0x0];
	_ =	sdelay $0x2  }
0xb8: {  	s31 =	sshll.u32 s1, $0xD;
	s1 =	sshrl.u32 s1, $0x2  }
0xb9: {  	s3 =	sand.u32 $0x4000, s31;
	s1 =	sadd.s32 s1, s30  }
0xba: {  	s0 =	sor.u32 s3, s0;
	s1 =	sshll.u32 s1, $0x11  }
0xbb: {  	s0 =	sor.u32 s1, s0  }
0xbc: {  	s0 =	sadd.s32 $0x8F2B, s0  }
0xbd: {  	[sflag:s0] =	ssyncadd.remote.s32 $0x1  }
0xbe: {  	_ =	sfence.sel $0xFFFF  }
0xbf: {  	[dreg:$0x0] =	wrdreg $0xFFFFFFFF;
	(pc) =	sbr.abs _section_cstart, $3  }
0xc0: {  	[dreg:$0x1] =	wrdreg $0xFFFFFFFF  }
0xc1: {  	_ =	task.clear_ibuf [dreg:s6], $0x2FFFF;
	_ =	strace $0x9FFFFFFF  }
0xc2: {  	(tm) =	ssettm $0x7FFFFFFF  }
0xc3: {  	_ =	shalt  }
tec
execute0_lowered:
.L_overlay_start_1:
0x0: {  	(tag) =	ssettag $0x1  }
0x1: {  	s1 =	srdreg.scid  }
0x2: {  	s0 =	stileid.u32;
	s5 =	rddreg [dreg:$0x0]  }
0x3: {  	s2 =	rddreg [dreg:$0x1];
	s3 =	simm.s32 $0x0;
	s13 =	simm.s32 $0x80  }
0x4: {  	s14 =	simm.s32 $0x2800;
	s15 =	simm.s32 $0x6800;
	s16 =	simm.s32 $0x1  }
0x5: {  	s17 =	simm.s32 $0x2;
	s18 =	simm.s32 $0x2700;
	s19 =	simm.s32 $0x2780  }
0x6: {  	s20 =	simm.s32 $0x0;
	s6 =	sand.u32 $0x1, s1;
	s1 =	rddreg [dreg:$0x2]  }
0x7: {  	s26 =	sshll.u32 s0, $0x1;
	[smem:$0x7FF] =	sst s3;
	s7 =	smul.u32 $0x13C00, s0  }
0x8: {  	s29 =	smul.u32 $0x4F000, s0;
	s31 =	sshll.u32 s0, $0x6;
	s4 =	sor.u32 s6, s26  }
0x9: {  	_ =	strace $0x80000047;
	s9 =	smul.u32 $0x13C000, s6;
	s6 =	ssub.s32 $0x2, s6  }
0xa: {  	s4 =	smul.u32 $0x5000, s4;
	s28 =	sshrl.u32 s7, $0x3;
	s11 =	sshrl.u32 s6, $0x1  }
0xb: {  	s30 =	sshrl.u32 s29, $0x2;
	s7 =	sadd.s32 s7, s9;
	s11 =	ssub.s32 s6, s11  }
0xc: {  	s12 =	sadd.s32 s30, s2;
	s6 =	sor.u32 $0x1C03, s31;
	s8 =	sshrl.u32 s4, $0x3  }
0xd: {  	s7 =	sshrl.u32 s7, $0x3;
	s10 =	sadd.s32 s8, s5;
	s8 =	sadd.s32 s28, s5  }
0xe: {  	s4 =	sadd.s32 $0x15600, s5;
	s7 =	sadd.s32 s7, s5;
	s5 =	sadd.s32 $0x3CE00, s8  }
0xf: {  	s7 =	sadd.s32 $0x64600, s7;
	s8 =	smax.u32 s11, $0x1;
	s9 =	sadd.s32 $0x1600, s10  }
0x10: {  	s10 =	sadd.s32 $0x1B00, s10;
	s11 =	sshrl.u32 s12, $0x3;
	s12 =	simm.s32 $0x3  }
.LBB2_1:
0x11: {  	[spmem:s11], [sflag:s6] =	dma.local [hbm:s5], $0x2780  }
0x12: {  	_ =	swait.ge [sflag:s12], $0x2780  }
0x13: {  	[sflag:s12] =	ssyncset.done $0x0  }
0x14: {  	[sflag:s12] =	ssyncadd.s32 $0xFFFFD880  }
0x15: {  	[bflag:$0x0] =	sbarrier.arrive $0xFFFF  }
0x16: {  	[tilespmem:s3], [sflag:$0x3] =	stream.linear.gather [hbm4b:s9+s3], $0x2800, $0x38;
	[tilespmem:$0x1E400] =	vst v63  }
0x17: {  	_ =	swait.ge [sflag:s12], $0x2800  }
0x18: {  	[sflag:s12] =	ssyncset.done $0x0  }
0x19: {  	[sflag:s12] =	ssyncadd.s32 $0xFFFFD800  }
0x1a: {  	[tilespmem:s14], [sflag:$0x1] =	stream.indirect.gather [hbm4b:s4+s13], $0x80, s3, s13, $0xb8;
	[tilespmem:$0x1E400] =	vst v63  }
0x1b: {  	_ = 	snop  }
0x1c: {  	[tilespmem:s15], [sflag:$0x2] =	stream.indirect.gather [hbm4b:s4+s13], $0x80, s13, s13, $0xb8;
	[tilespmem:$0x1E400] =	vst v63  }
0x1d: {  	_ =	swait.ge [sflag:s16], $0x4000  }
0x1e: {  	[sflag:s16] =	ssyncset.done $0x0  }
0x1f: {  	s21 =	simm.s32 $0x1400;
	[sflag:s16] =	ssyncadd.s32 $0xFFFFC000  }
0x20: {  	[spmem:s2] =	stream.indirect.scatter.add.f32 [tilespmem:s14], [sflag:$0x3], $0x80, s21, s13, $0xb8;
	[tilespmem:$0x1E400] =	vst v63  }
0x21: {  	_ =	swait.ge [sflag:s12], $0x4000  }
0x22: {  	[sflag:s12] =	ssyncset.done $0x0  }
0x23: {  	s30 =	simm.s32 $0x100;
	[sflag:s12] =	ssyncadd.s32 $0xFFFFC000  }
0x24: {  	[tilespmem:s14], [sflag:$0x1] =	stream.indirect.gather [hbm4b:s4+s13], $0x80, s30, s13, $0xb8;
	[tilespmem:$0x1E400] =	vst v63  }
0x25: {  	_ =	swait.ge [sflag:s17], $0x4000  }
0x26: {  	[sflag:s17] =	ssyncset.done $0x0  }
0x27: {  	s31 =	simm.s32 $0x1480;
	[sflag:s17] =	ssyncadd.s32 $0xFFFFC000  }
0x28: {  	[spmem:s2] =	stream.indirect.scatter.add.f32 [tilespmem:s15], [sflag:$0x3], $0x80, s31, s13, $0xb8;
	[tilespmem:$0x1E400] =	vst v63  }
0x29: {  	_ =	swait.ge [sflag:s12], $0x4000  }
0x2a: {  	[sflag:s12] =	ssyncset.done $0x0  }
0x2b: {  	s22 =	simm.s32 $0x180;
	s21 =	simm.s32 $0x800;
	[sflag:s12] =	ssyncadd.s32 $0xFFFFC000  }
.LBB2_2:
0x2c: {  	[tilespmem:s15], [sflag:$0x2] =	stream.indirect.gather [hbm4b:s4+s13], $0x80, s22, s13, $0xb8;
	[tilespmem:$0x1E400] =	vst v63  }
0x2d: {  	s22 =	smov.u32 s21  }
0x2e: {  	p0 =	sne.s32 s21, $0x4C00;
	s21 =	sadd.s32 $0x400, s21;
	_ =	swait.ge [sflag:s16], $0x4000  }
0x2f: {  	s22 =	sshra.s32 s22, $0x2;
	[sflag:s16] =	ssyncset.done $0x0  }
0x30: {  	s23 =	sadd.s32 $0x1300, s22;
	[sflag:s16] =	ssyncadd.s32 $0xFFFFC000  }
0x31: {  	[spmem:s2] =	stream.indirect.scatter.add.f32 [tilespmem:s14], [sflag:$0x3], $0x80, s23, s13, $0xb8;
	[tilespmem:$0x1E400] =	vst v63  }
0x32: {  	_ =	swait.ge [sflag:s12], $0x4000  }
0x33: {  	[sflag:s12] =	ssyncset.done $0x0  }
0x34: {  	[sflag:s12] =	ssyncadd.s32 $0xFFFFC000  }
0x35: {  	[tilespmem:s14], [sflag:$0x1] =	stream.indirect.gather [hbm4b:s4+s13], $0x80, s22, s13, $0xb8;
	[tilespmem:$0x1E400] =	vst v63  }
0x36: {  	_ =	swait.ge [sflag:s17], $0x4000  }
0x37: {  	[sflag:s17] =	ssyncset.done $0x0  }
.Ltmp0:
0x38: {  	s23 =	sadd.s32 $0x1380, s22;
	[sflag:s17] =	ssyncadd.s32 $0xFFFFC000;
	(pc) =	sbr.rel @p0 .LBB2_2-.Ltmp0, $4  }
0x39: {  	[spmem:s2] =	stream.indirect.scatter.add.f32 [tilespmem:s15], [sflag:$0x3], $0x80, s23, s13, $0xb8;
	[tilespmem:$0x1E400] =	vst v63  }
0x3a: {  	_ =	swait.ge [sflag:s12], $0x4000  }
0x3b: {  	[sflag:s12] =	ssyncset.done $0x0  }
0x3c: {  	s22 =	sadd.s32 $0x80, s22;
	[sflag:s12] =	ssyncadd.s32 $0xFFFFC000  }
0x3d: {  	[tilespmem:s15], [sflag:$0x2] =	stream.indirect.gather [hbm4b:s4+s13], $0x80, s22, s13, $0xb8;
	[tilespmem:$0x1E400] =	vst v63  }
0x3e: {  	_ =	swait.ge [sflag:s16], $0x4000  }
0x3f: {  	[sflag:s16] =	ssyncset.done $0x0  }
0x40: {  	[sflag:s16] =	ssyncadd.s32 $0xFFFFC000  }
0x41: {  	[spmem:s2] =	stream.indirect.scatter.add.f32 [tilespmem:s14], [sflag:$0x3], $0x80, s18, s13, $0xb8;
	[tilespmem:$0x1E400] =	vst v63  }
0x42: {  	_ =	swait.ge [sflag:s12], $0x4000  }
0x43: {  	[sflag:s12] =	ssyncset.done $0x0  }
0x44: {  	[sflag:s12] =	ssyncadd.s32 $0xFFFFC000  }
0x45: {  	_ =	swait.ge [sflag:s17], $0x4000  }
0x46: {  	[sflag:s17] =	ssyncset.done $0x0  }
0x47: {  	[sflag:s17] =	ssyncadd.s32 $0xFFFFC000  }
0x48: {  	[spmem:s2] =	stream.indirect.scatter.add.f32 [tilespmem:s15], [sflag:$0x3], $0x80, s19, s13, $0xb8;
	[tilespmem:$0x1E400] =	vst v63  }
0x49: {  	_ =	swait.ge [sflag:s12], $0x4000  }
0x4a: {  	[sflag:s12] =	ssyncset.done $0x0  }
0x4b: {  	[sflag:s12] =	ssyncadd.s32 $0xFFFFC000  }
0x4c: {  	[tilespmem:s3], [sflag:$0x3] =	stream.linear.gather [hbm4b:s10+s3], $0x2800, $0x38;
	[tilespmem:$0x1E400] =	vst v63  }
0x4d: {  	_ =	swait.ge [sflag:s12], $0x2800  }
0x4e: {  	[sflag:s12] =	ssyncset.done $0x0  }
0x4f: {  	[sflag:s12] =	ssyncadd.s32 $0xFFFFD800  }
0x50: {  	[tilespmem:s14], [sflag:$0x1] =	stream.indirect.gather [hbm4b:s4+s13], $0x80, s3, s13, $0xb8;
	[tilespmem:$0x1E400] =	vst v63  }
0x51: {  	_ = 	snop  }
0x52: {  	[tilespmem:s15], [sflag:$0x2] =	stream.indirect.gather [hbm4b:s4+s13], $0x80, s13, s13, $0xb8;
	[tilespmem:$0x1E400] =	vst v63  }
0x53: {  	_ =	swait.ge [sflag:s16], $0x4000  }
0x54: {  	[sflag:s16] =	ssyncset.done $0x0  }
0x55: {  	s21 =	simm.s32 $0x1400;
	[sflag:s16] =	ssyncadd.s32 $0xFFFFC000  }
0x56: {  	[spmem:s2] =	stream.indirect.scatter.add.f32 [tilespmem:s14], [sflag:$0x3], $0x80, s21, s13, $0xb8;
	[tilespmem:$0x1E400] =	vst v63  }
0x57: {  	_ =	swait.ge [sflag:s12], $0x4000  }
0x58: {  	[sflag:s12] =	ssyncset.done $0x0  }
0x59: {  	s30 =	simm.s32 $0x100;
	[sflag:s12] =	ssyncadd.s32 $0xFFFFC000  }
0x5a: {  	[tilespmem:s14], [sflag:$0x1] =	stream.indirect.gather [hbm4b:s4+s13], $0x80, s30, s13, $0xb8;
	[tilespmem:$0x1E400] =	vst v63  }
0x5b: {  	_ =	swait.ge [sflag:s17], $0x4000  }
0x5c: {  	[sflag:s17] =	ssyncset.done $0x0  }
0x5d: {  	s31 =	simm.s32 $0x1480;
	[sflag:s17] =	ssyncadd.s32 $0xFFFFC000  }
0x5e: {  	[spmem:s2] =	stream.indirect.scatter.add.f32 [tilespmem:s15], [sflag:$0x3], $0x80, s31, s13, $0xb8;
	[tilespmem:$0x1E400] =	vst v63  }
0x5f: {  	_ =	swait.ge [sflag:s12], $0x4000  }
0x60: {  	[sflag:s12] =	ssyncset.done $0x0  }
0x61: {  	s22 =	simm.s32 $0x180;
	s21 =	simm.s32 $0x800;
	[sflag:s12] =	ssyncadd.s32 $0xFFFFC000  }
.LBB2_4:
0x62: {  	[tilespmem:s15], [sflag:$0x2] =	stream.indirect.gather [hbm4b:s4+s13], $0x80, s22, s13, $0xb8;
	[tilespmem:$0x1E400] =	vst v63  }
0x63: {  	s22 =	smov.u32 s21  }
0x64: {  	p0 =	sne.s32 s21, $0x4C00;
	s21 =	sadd.s32 $0x400, s21;
	_ =	swait.ge [sflag:s16], $0x4000  }
0x65: {  	s22 =	sshra.s32 s22, $0x2;
	[sflag:s16] =	ssyncset.done $0x0  }
0x66: {  	s23 =	sadd.s32 $0x1300, s22;
	[sflag:s16] =	ssyncadd.s32 $0xFFFFC000  }
0x67: {  	[spmem:s2] =	stream.indirect.scatter.add.f32 [tilespmem:s14], [sflag:$0x3], $0x80, s23, s13, $0xb8;
	[tilespmem:$0x1E400] =	vst v63  }
0x68: {  	_ =	swait.ge [sflag:s12], $0x4000  }
0x69: {  	[sflag:s12] =	ssyncset.done $0x0  }
0x6a: {  	[sflag:s12] =	ssyncadd.s32 $0xFFFFC000  }
0x6b: {  	[tilespmem:s14], [sflag:$0x1] =	stream.indirect.gather [hbm4b:s4+s13], $0x80, s22, s13, $0xb8;
	[tilespmem:$0x1E400] =	vst v63  }
0x6c: {  	_ =	swait.ge [sflag:s17], $0x4000  }
0x6d: {  	[sflag:s17] =	ssyncset.done $0x0  }
.Ltmp1:
0x6e: {  	s23 =	sadd.s32 $0x1380, s22;
	[sflag:s17] =	ssyncadd.s32 $0xFFFFC000;
	(pc) =	sbr.rel @p0 .LBB2_4-.Ltmp1, $4  }
0x6f: {  	[spmem:s2] =	stream.indirect.scatter.add.f32 [tilespmem:s15], [sflag:$0x3], $0x80, s23, s13, $0xb8;
	[tilespmem:$0x1E400] =	vst v63  }
0x70: {  	_ =	swait.ge [sflag:s12], $0x4000  }
0x71: {  	[sflag:s12] =	ssyncset.done $0x0  }
0x72: {  	s22 =	sadd.s32 $0x80, s22;
	[sflag:s12] =	ssyncadd.s32 $0xFFFFC000  }
0x73: {  	[tilespmem:s15], [sflag:$0x2] =	stream.indirect.gather [hbm4b:s4+s13], $0x80, s22, s13, $0xb8;
	[tilespmem:$0x1E400] =	vst v63  }
0x74: {  	_ =	swait.ge [sflag:s16], $0x4000  }
0x75: {  	[sflag:s16] =	ssyncset.done $0x0  }
0x76: {  	[sflag:s16] =	ssyncadd.s32 $0xFFFFC000  }
0x77: {  	[spmem:s2] =	stream.indirect.scatter.add.f32 [tilespmem:s14], [sflag:$0x3], $0x80, s18, s13, $0xb8;
	[tilespmem:$0x1E400] =	vst v63  }
0x78: {  	_ =	swait.ge [sflag:s12], $0x4000  }
0x79: {  	[sflag:s12] =	ssyncset.done $0x0  }
0x7a: {  	[sflag:s12] =	ssyncadd.s32 $0xFFFFC000  }
0x7b: {  	_ =	swait.ge [sflag:s17], $0x4000  }
0x7c: {  	[sflag:s17] =	ssyncset.done $0x0  }
0x7d: {  	[sflag:s17] =	ssyncadd.s32 $0xFFFFC000  }
0x7e: {  	[spmem:s2] =	stream.indirect.scatter.add.f32 [tilespmem:s15], [sflag:$0x3], $0x80, s19, s13, $0xb8;
	[tilespmem:$0x1E400] =	vst v63  }
0x7f: {  	_ =	swait.ge [sflag:s12], $0x4000  }
0x80: {  	s20 =	sadd.s32 $0x1, s20;
	[sflag:s12] =	ssyncset.done $0x0  }
0x81: {  	p0 =	sne.s32 s20, s8;
	[sflag:s12] =	ssyncadd.s32 $0xFFFFC000  }
.Ltmp2:
0x82: {  	[bflag:$0x0] =	sbarrier.arrive $0xFFFF;
	(pc) =	sbr.rel @p0 .LBB2_1-.Ltmp2, $4  }
0x83: {  	[hbm:s7], [sflag:s6] =	dma.local [spmem:s11], $0x2780  }
0x84: {  	_ =	swait.ge [sflag:s12], $0x2780  }
0x85: {  	[sflag:s12] =	ssyncset.done $0x0  }
0x86: {  	[sflag:s12] =	ssyncadd.s32 $0xFFFFD880  }
0x87: {  	_ =	sfence.sel $0x180000  }
0x88: {  	[bflag:$0x0] =	sbarrier.arrive $0xFFFF  }
0x89: {  	p0 =	sne.s32 s0, $0x0;
	_ =	strace $0x90000047  }
0x8a: {  	s0 =	sadd.s32 @!p0 $0x100000, s1;
	[bflag:$0x2] =	sbarrier.arrive $0xFFFF  }
0x8b: {  	[sflag:s0] =	ssyncadd.tile.s32 @!p0 $0x1;
	_ =	shalt  }
.Lfunc_end2:
_tile_overlayer_lowered:
.L_overlay_start_2:
0x8c: {  	(tag) =	ssettag $0x2  }
0x8d: {  	s0 =	rddreg [dreg:$0x0];
	s2 =	stileid.u32  }
0x8e: {  	s1 =	rddreg [dreg:$0x1];
	p0 =	sne.s32 s2, $0x0  }
0x8f: {  	s3 =	rddreg [dreg:$0x2];
	[bflag:$0x3] =	sbarrier.arrive $0xFFFF;
	s2 =	simm.s32 @!p0 $0x1C03  }
0x90: {  	[timem:s3], [sflag:s2] =	dma.local @!p0 [hbm:s0], s1  }
0x91: {  	s0 =	simm.s32 @!p0 $0x3  }
0x92: {  	_ =	swait.ge @!p0 [sflag:s0], s1  }
0x93: {  	s1 =	ssub.s32 @!p0 $0x0, s1;
	[sflag:s0] =	ssyncset.done @!p0 $0x0  }
0x94: {  	[sflag:s0] =	ssyncadd.s32 @!p0 s1  }
0x95: {  	[bflag:$0x3] =	sbarrier.arrive $0xFFFF  }
0x96: {  	_ =	shalt  }

</sc_bundles>
